<compile_context>
chip_gen: v7x
topology: tpu7x:2x2x1
jax: 0.10.2.dev20260603
libtpu: 0.0.44.dev20260713+nightly
codegen_flags: <defaults>
</compile_context>

<pallas_src>
import functools

import jax
import jax.numpy as jnp
from jax import lax
from jax.experimental import pallas as pl
from jax.experimental.pallas import tpu as pltpu
from jax.experimental.pallas import tpu_sc as plsc

_B, _L, _D = 4, 2048, 1024
_NC, _NS = 2, 16
_NW = _NC * _NS

_SC_ROWS = 1024
_R1 = _B * _L - _SC_ROWS
_PBASE = _L - _SC_ROWS
_CH = 8
_RPW = _SC_ROWS // _NW
_NCHUNK = _RPW // _CH

_mesh = plsc.VectorSubcoreMesh(
    core_axis_name="c", subcore_axis_name="s", num_cores=_NC, num_subcores=_NS
)


@functools.partial(
    pl.kernel,
    out_type=jax.ShapeDtypeStruct((_SC_ROWS, _D), jnp.float32),
    mesh=_mesh,
    scratch_types=[
        pltpu.VMEM((_RPW, _D), jnp.float32),
        pltpu.VMEM((_CH, _D), jnp.float32),
        pltpu.VMEM((_CH, _D), jnp.float32),
        pltpu.SemaphoreType.DMA,
        pltpu.SemaphoreType.DMA,
        pltpu.SemaphoreType.DMA,
        pltpu.SemaphoreType.DMA,
        pltpu.SemaphoreType.DMA,
    ],
)
def _pos_add_sc(x_hbm, pos_hbm, out_hbm, pos_v, xa, xb,
                pos_sem, in0, in1, out0, out1):
    wid = lax.axis_index("s") * _NC + lax.axis_index("c")
    rbase = wid * _RPW
    bufs = (xa, xb)
    in_sems = (in0, in1)
    out_sems = (out0, out1)

    pos_cp = pltpu.make_async_copy(
        pos_hbm.at[pl.ds(_PBASE + rbase, _RPW), :], pos_v, pos_sem)
    pos_cp.start()

    loads = [
        pltpu.make_async_copy(
            x_hbm.at[pl.ds(_R1 + rbase + k * _CH, _CH), :], bufs[k % 2],
            in_sems[k % 2])
        for k in range(_NCHUNK)
    ]
    stores = [
        pltpu.make_async_copy(
            bufs[k % 2], out_hbm.at[pl.ds(rbase + k * _CH, _CH), :],
            out_sems[k % 2])
        for k in range(_NCHUNK)
    ]

    loads[0].start()
    for k in range(_NCHUNK):
        if k + 1 < _NCHUNK:
            if k >= 1:
                stores[k - 1].wait()
            loads[k + 1].start()
        loads[k].wait()
        if k == 0:
            pos_cp.wait()
        x_v = bufs[k % 2]
        prow = k * _CH

        @plsc.parallel_loop(0, _D, step=16, unroll=2)
        def _(i):
            for r in range(_CH):
                plsc.addupdate(x_v.at[r, pl.ds(i, 16)],
                               pos_v[prow + r, pl.ds(i, 16)])

        stores[k].start()
    stores[_NCHUNK - 2].wait()
    stores[_NCHUNK - 1].wait()


_TBLK = 1024


def _tc_body(x_ref, p_hbm, o_ref, p_v, p_sem0, p_sem1):
    i = pl.program_id(0)

    def _half_cp(h, sem):
        return pltpu.make_async_copy(
            p_hbm.at[pl.ds(h * _TBLK, _TBLK), :],
            p_v.at[pl.ds(h * _TBLK, _TBLK), :], sem)

    @pl.when(i == 0)
    def _():
        _half_cp(0, p_sem0).start()
        _half_cp(1, p_sem1).start()
        _half_cp(0, p_sem0).wait()

    @pl.when(i == 1)
    def _():
        _half_cp(1, p_sem1).wait()

    half = (i % (_L // _TBLK)) * _TBLK
    o_ref[...] = x_ref[...] + p_v[pl.ds(half, _TBLK), :]


_pos_add_tc = pl.pallas_call(
    _tc_body,
    grid=(_R1 // _TBLK,),
    in_specs=[
        pl.BlockSpec((_TBLK, _D), lambda i: (i, 0)),
        pl.BlockSpec(memory_space=pl.ANY),
    ],
    out_specs=pl.BlockSpec((_TBLK, _D), lambda i: (i, 0)),
    out_shape=jax.ShapeDtypeStruct((_B * _L, _D), jnp.float32),
    scratch_shapes=[
        pltpu.VMEM((_L, _D), jnp.float32),
        pltpu.SemaphoreType.DMA,
        pltpu.SemaphoreType.DMA,
    ],
)


def kernel(x, pos_table):
    x2 = x.reshape(_B * _L, _D)
    out_sc = _pos_add_sc(x2, pos_table)
    out_tc = _pos_add_tc(x2, pos_table)
    out = lax.dynamic_update_slice(out_tc, out_sc, (_R1, 0))
    return out.reshape(x.shape)

# --- scband reference (transcript-rebuilt; emitter-appended) ---
"""Pipeline reference for scband-pos-embedding-layer-9852654977439 (READ-ONLY COPY).

The authoritative reference and input builder live on the scoring server;
editing this copy changes nothing except your own understanding.
"""

import jax, jax.numpy as jnp
import numpy as np

B, L, D, MAXLEN = 4, 2048, 1024, 4096

def setup_inputs(seed: int = 0) -> dict:
    key = jax.random.key(seed)
    k1, k2 = jax.random.split(key)
    x = jax.random.normal(k1, (B, L, D), dtype=jnp.float32)
    # learned positional embedding table, sized per init_kwargs (max_length x size)
    pos_table = jax.random.normal(k2, (MAXLEN, D), dtype=jnp.float32) * 0.02
    return {"x": x, "pos_table": pos_table}

def reference(x, pos_table):
    # PosEmbeddingLayer forward: size == input feature dim (no pad branch),
    # embeds = positional table gathered for positions [0, L), broadcast over batch,
    # output = input + embeds
    seq_len = x.shape[1]
    positions = jnp.arange(seq_len)
    embeds = jnp.take(pos_table, positions, axis=0)  # [L, D] gather (embedding lookup)
    out = x + embeds[None, :, :]
    return out

if __name__ == "__main__":
    import jax
    _d = setup_inputs()
    print(jax.jit(kernel)(*tuple(_d.values())))

</pallas_src>

<mosaic_0001>
#map = affine_map<(d0, d1) -> (0, 0)>
module attributes {stable_mosaic.version = 14 : i64} {
  func.func @_pos_add_sc(%arg0: i32, %arg1: i32, %arg2: memref<8192x1024xf32, #tpu.memory_space<hbm>>, %arg3: memref<4096x1024xf32, #tpu.memory_space<hbm>>, %arg4: memref<1024x1024xf32, #tpu.memory_space<hbm>>, %arg5: memref<32x1024xf32, #tpu.memory_space<vmem>>, %arg6: memref<8x1024xf32, #tpu.memory_space<vmem>>, %arg7: memref<8x1024xf32, #tpu.memory_space<vmem>>, %arg8: memref<!tpu.dma_semaphore, #tpu.memory_space<semaphore_mem>>, %arg9: memref<!tpu.dma_semaphore, #tpu.memory_space<semaphore_mem>>, %arg10: memref<!tpu.dma_semaphore, #tpu.memory_space<semaphore_mem>>, %arg11: memref<!tpu.dma_semaphore, #tpu.memory_space<semaphore_mem>>, %arg12: memref<!tpu.dma_semaphore, #tpu.memory_space<semaphore_mem>>) attributes {dimension_semantics = [#tpu.dimension_semantics<core_parallel>, #tpu.dimension_semantics<subcore_parallel>], iteration_bounds = array<i64: 2, 16>, scalar_prefetch = 0 : i64, scratch_operands = 8 : i64, tpu.core_type = #tpu.core_type<sc_vector_subcore>, window_params = [{transform_indices = #map}, {transform_indices = #map}, {transform_indices = #map}]} {
    %mul3A = arith.constant 2 : i32
    %mul3A_0 = arith.muli %arg1, %mul3A : i32
    %add3A = arith.addi %mul3A_0, %arg0 : i32
    %mul3A_1 = arith.constant 32 : i32
    %mul3A_2 = arith.muli %add3A, %mul3A_1 : i32
    %add3A_3 = arith.constant 1024 : i32
    %add3A_4 = arith.addi %add3A_3, %mul3A_2 : i32
    %dma_start3A = arith.constant 0 : i32
    %dma_start3A_5 = tpu.memref_slice %arg3[%add3A_4, %dma_start3A] : memref<4096x1024xf32, #tpu.memory_space<hbm>> -> memref<32x1024xf32, #tpu.memory_space<hbm>>
    %dma_start3A_6 = arith.constant 0 : i32
    %dma_start3A_7 = tpu.memref_slice %arg3[%add3A_4, %dma_start3A_6] : memref<4096x1024xf32, #tpu.memory_space<hbm>> -> memref<32x1024xf32, #tpu.memory_space<hbm>>
    tpu.enqueue_dma source(%dma_start3A_7 : memref<32x1024xf32, #tpu.memory_space<hbm>>) target(%arg5 : memref<32x1024xf32, #tpu.memory_space<vmem>>) target_semaphore(%arg8 : memref<!tpu.dma_semaphore, #tpu.memory_space<semaphore_mem>>)
    %add3A_8 = arith.constant 7168 : i32
    %add3A_9 = arith.addi %add3A_8, %mul3A_2 : i32
    %add3A_10 = arith.constant 0 : i32
    %add3A_11 = arith.addi %add3A_9, %add3A_10 : i32
    %add3A_12 = arith.constant 7168 : i32
    %add3A_13 = arith.addi %add3A_12, %mul3A_2 : i32
    %add3A_14 = arith.constant 8 : i32
    %add3A_15 = arith.addi %add3A_13, %add3A_14 : i32
    %add3A_16 = arith.constant 7168 : i32
    %add3A_17 = arith.addi %add3A_16, %mul3A_2 : i32
    %add3A_18 = arith.constant 16 : i32
    %add3A_19 = arith.addi %add3A_17, %add3A_18 : i32
    %add3A_20 = arith.constant 7168 : i32
    %add3A_21 = arith.addi %add3A_20, %mul3A_2 : i32
    %add3A_22 = arith.constant 24 : i32
    %add3A_23 = arith.addi %add3A_21, %add3A_22 : i32
    %add3A_24 = arith.constant 0 : i32
    %add3A_25 = arith.addi %mul3A_2, %add3A_24 : i32
    %add3A_26 = arith.constant 8 : i32
    %add3A_27 = arith.addi %mul3A_2, %add3A_26 : i32
    %add3A_28 = arith.constant 16 : i32
    %add3A_29 = arith.addi %mul3A_2, %add3A_28 : i32
    %add3A_30 = arith.constant 24 : i32
    %add3A_31 = arith.addi %mul3A_2, %add3A_30 : i32
    %dma_start3A_32 = arith.constant 0 : i32
    %dma_start3A_33 = tpu.memref_slice %arg2[%add3A_11, %dma_start3A_32] : memref<8192x1024xf32, #tpu.memory_space<hbm>> -> memref<8x1024xf32, #tpu.memory_space<hbm>>
    %dma_start3A_34 = arith.constant 0 : i32
    %dma_start3A_35 = tpu.memref_slice %arg2[%add3A_11, %dma_start3A_34] : memref<8192x1024xf32, #tpu.memory_space<hbm>> -> memref<8x1024xf32, #tpu.memory_space<hbm>>
    tpu.enqueue_dma source(%dma_start3A_35 : memref<8x1024xf32, #tpu.memory_space<hbm>>) target(%arg6 : memref<8x1024xf32, #tpu.memory_space<vmem>>) target_semaphore(%arg9 : memref<!tpu.dma_semaphore, #tpu.memory_space<semaphore_mem>>)
    %dma_start3A_36 = arith.constant 0 : i32
    %dma_start3A_37 = tpu.memref_slice %arg2[%add3A_15, %dma_start3A_36] : memref<8192x1024xf32, #tpu.memory_space<hbm>> -> memref<8x1024xf32, #tpu.memory_space<hbm>>
    %dma_start3A_38 = arith.constant 0 : i32
    %dma_start3A_39 = tpu.memref_slice %arg2[%add3A_15, %dma_start3A_38] : memref<8192x1024xf32, #tpu.memory_space<hbm>> -> memref<8x1024xf32, #tpu.memory_space<hbm>>
    tpu.enqueue_dma source(%dma_start3A_39 : memref<8x1024xf32, #tpu.memory_space<hbm>>) target(%arg7 : memref<8x1024xf32, #tpu.memory_space<vmem>>) target_semaphore(%arg10 : memref<!tpu.dma_semaphore, #tpu.memory_space<semaphore_mem>>)
    %dma_wait3A = arith.constant 0 : i32
    %dma_wait3A_40 = tpu.memref_slice %arg2[%add3A_11, %dma_wait3A] : memref<8192x1024xf32, #tpu.memory_space<hbm>> -> memref<8x1024xf32, #tpu.memory_space<hbm>>
    %dma_wait3A_41 = arith.constant 0 : i32
    %dma_wait3A_42 = tpu.memref_slice %arg2[%add3A_11, %dma_wait3A_41] : memref<8192x1024xf32, #tpu.memory_space<hbm>> -> memref<8x1024xf32, #tpu.memory_space<hbm>>
    tpu.wait_dma2 semaphore(%arg9 : memref<!tpu.dma_semaphore, #tpu.memory_space<semaphore_mem>>) src(%dma_wait3A_42 : memref<8x1024xf32, #tpu.memory_space<hbm>>) dst(%arg6 : memref<8x1024xf32, #tpu.memory_space<vmem>>)
    %dma_wait3A_43 = arith.constant 0 : i32
    %dma_wait3A_44 = tpu.memref_slice %arg3[%add3A_4, %dma_wait3A_43] : memref<4096x1024xf32, #tpu.memory_space<hbm>> -> memref<32x1024xf32, #tpu.memory_space<hbm>>
    %dma_wait3A_45 = arith.constant 0 : i32
    %dma_wait3A_46 = tpu.memref_slice %arg3[%add3A_4, %dma_wait3A_45] : memref<4096x1024xf32, #tpu.memory_space<hbm>> -> memref<32x1024xf32, #tpu.memory_space<hbm>>
    tpu.wait_dma2 semaphore(%arg8 : memref<!tpu.dma_semaphore, #tpu.memory_space<semaphore_mem>>) src(%dma_wait3A_46 : memref<32x1024xf32, #tpu.memory_space<hbm>>) dst(%arg5 : memref<32x1024xf32, #tpu.memory_space<vmem>>)
    %parallel_loop3A = arith.constant 0 : i32
    %parallel_loop3A_47 = arith.constant 1024 : i32
    %parallel_loop3A_48 = arith.constant 16 : i32
    scf.for %parallel_loop3A_110 = %parallel_loop3A to %parallel_loop3A_47 step %parallel_loop3A_48  : i32 {
      %parallel_loop3A_111 = arith.constant 0 : i32
      %parallel_loop3A_112 = arith.index_cast %parallel_loop3A_111 : i32 to index
      %parallel_loop3A_113 = arith.index_cast %parallel_loop3A_110 : i32 to index
      %parallel_loop3A_114 = tpu.vector_load %arg5[%parallel_loop3A_112, %parallel_loop3A_113] {strides = array<i32>} : memref<32x1024xf32, #tpu.memory_space<vmem>>, vector<1x16xf32>,
      %parallel_loop3A_115 = vector.shape_cast %parallel_loop3A_114 : vector<1x16xf32> to vector<16xf32>
      %parallel_loop3A_116 = arith.constant 0 : i32
      %parallel_loop3A_117 = arith.index_cast %parallel_loop3A_116 : i32 to index
      %parallel_loop3A_118 = arith.index_cast %parallel_loop3A_110 : i32 to index
      %parallel_loop3A_119 = tpu.vector_load %arg6[%parallel_loop3A_117, %parallel_loop3A_118] {strides = array<i32>} : memref<8x1024xf32, #tpu.memory_space<vmem>>, vector<1x16xf32>,
      %parallel_loop3A_120 = vector.shape_cast %parallel_loop3A_119 : vector<1x16xf32> to vector<16xf32>
      %parallel_loop3A_121 = vector.shape_cast %parallel_loop3A_115 : vector<16xf32> to vector<1x16xf32>
      tpu.vector_store %arg6[%parallel_loop3A_117, %parallel_loop3A_118], %parallel_loop3A_121 {add = true, strides = array<i32>} : memref<8x1024xf32, #tpu.memory_space<vmem>>, vector<1x16xf32>,
      %parallel_loop3A_122 = arith.constant 1 : i32
      %parallel_loop3A_123 = arith.index_cast %parallel_loop3A_122 : i32 to index
      %parallel_loop3A_124 = arith.index_cast %parallel_loop3A_110 : i32 to index
      %parallel_loop3A_125 = tpu.vector_load %arg5[%parallel_loop3A_123, %parallel_loop3A_124] {strides = array<i32>} : memref<32x1024xf32, #tpu.memory_space<vmem>>, vector<1x16xf32>,
      %parallel_loop3A_126 = vector.shape_cast %parallel_loop3A_125 : vector<1x16xf32> to vector<16xf32>
      %parallel_loop3A_127 = arith.constant 1 : i32
      %parallel_loop3A_128 = arith.index_cast %parallel_loop3A_127 : i32 to index
      %parallel_loop3A_129 = arith.index_cast %parallel_loop3A_110 : i32 to index
      %parallel_loop3A_130 = tpu.vector_load %arg6[%parallel_loop3A_128, %parallel_loop3A_129] {strides = array<i32>} : memref<8x1024xf32, #tpu.memory_space<vmem>>, vector<1x16xf32>,
      %parallel_loop3A_131 = vector.shape_cast %parallel_loop3A_130 : vector<1x16xf32> to vector<16xf32>
      %parallel_loop3A_132 = vector.shape_cast %parallel_loop3A_126 : vector<16xf32> to vector<1x16xf32>
      tpu.vector_store %arg6[%parallel_loop3A_128, %parallel_loop3A_129], %parallel_loop3A_132 {add = true, strides = array<i32>} : memref<8x1024xf32, #tpu.memory_space<vmem>>, vector<1x16xf32>,
      %parallel_loop3A_133 = arith.constant 2 : i32
      %parallel_loop3A_134 = arith.index_cast %parallel_loop3A_133 : i32 to index
      %parallel_loop3A_135 = arith.index_cast %parallel_loop3A_110 : i32 to index
      %parallel_loop3A_136 = tpu.vector_load %arg5[%parallel_loop3A_134, %parallel_loop3A_135] {strides = array<i32>} : memref<32x1024xf32, #tpu.memory_space<vmem>>, vector<1x16xf32>,
      %parallel_loop3A_137 = vector.shape_cast %parallel_loop3A_136 : vector<1x16xf32> to vector<16xf32>
      %parallel_loop3A_138 = arith.constant 2 : i32
      %parallel_loop3A_139 = arith.index_cast %parallel_loop3A_138 : i32 to index
      %parallel_loop3A_140 = arith.index_cast %parallel_loop3A_110 : i32 to index
      %parallel_loop3A_141 = tpu.vector_load %arg6[%parallel_loop3A_139, %parallel_loop3A_140] {strides = array<i32>} : memref<8x1024xf32, #tpu.memory_space<vmem>>, vector<1x16xf32>,
      %parallel_loop3A_142 = vector.shape_cast %parallel_loop3A_141 : vector<1x16xf32> to vector<16xf32>
      %parallel_loop3A_143 = vector.shape_cast %parallel_loop3A_137 : vector<16xf32> to vector<1x16xf32>
      tpu.vector_store %arg6[%parallel_loop3A_139, %parallel_loop3A_140], %parallel_loop3A_143 {add = true, strides = array<i32>} : memref<8x1024xf32, #tpu.memory_space<vmem>>, vector<1x16xf32>,
      %parallel_loop3A_144 = arith.constant 3 : i32
      %parallel_loop3A_145 = arith.index_cast %parallel_loop3A_144 : i32 to index
      %parallel_loop3A_146 = arith.index_cast %parallel_loop3A_110 : i32 to index
      %parallel_loop3A_147 = tpu.vector_load %arg5[%parallel_loop3A_145, %parallel_loop3A_146] {strides = array<i32>} : memref<32x1024xf32, #tpu.memory_space<vmem>>, vector<1x16xf32>,
      %parallel_loop3A_148 = vector.shape_cast %parallel_loop3A_147 : vector<1x16xf32> to vector<16xf32>
      %parallel_loop3A_149 = arith.constant 3 : i32
      %parallel_loop3A_150 = arith.index_cast %parallel_loop3A_149 : i32 to index
      %parallel_loop3A_151 = arith.index_cast %parallel_loop3A_110 : i32 to index
      %parallel_loop3A_152 = tpu.vector_load %arg6[%parallel_loop3A_150, %parallel_loop3A_151] {strides = array<i32>} : memref<8x1024xf32, #tpu.memory_space<vmem>>, vector<1x16xf32>,
      %parallel_loop3A_153 = vector.shape_cast %parallel_loop3A_152 : vector<1x16xf32> to vector<16xf32>
      %parallel_loop3A_154 = vector.shape_cast %parallel_loop3A_148 : vector<16xf32> to vector<1x16xf32>
      tpu.vector_store %arg6[%parallel_loop3A_150, %parallel_loop3A_151], %parallel_loop3A_154 {add = true, strides = array<i32>} : memref<8x1024xf32, #tpu.memory_space<vmem>>, vector<1x16xf32>,
      %parallel_loop3A_155 = arith.constant 4 : i32
      %parallel_loop3A_156 = arith.index_cast %parallel_loop3A_155 : i32 to index
      %parallel_loop3A_157 = arith.index_cast %parallel_loop3A_110 : i32 to index
      %parallel_loop3A_158 = tpu.vector_load %arg5[%parallel_loop3A_156, %parallel_loop3A_157] {strides = array<i32>} : memref<32x1024xf32, #tpu.memory_space<vmem>>, vector<1x16xf32>,
      %parallel_loop3A_159 = vector.shape_cast %parallel_loop3A_158 : vector<1x16xf32> to vector<16xf32>
      %parallel_loop3A_160 = arith.constant 4 : i32
      %parallel_loop3A_161 = arith.index_cast %parallel_loop3A_160 : i32 to index
      %parallel_loop3A_162 = arith.index_cast %parallel_loop3A_110 : i32 to index
      %parallel_loop3A_163 = tpu.vector_load %arg6[%parallel_loop3A_161, %parallel_loop3A_162] {strides = array<i32>} : memref<8x1024xf32, #tpu.memory_space<vmem>>, vector<1x16xf32>,
      %parallel_loop3A_164 = vector.shape_cast %parallel_loop3A_163 : vector<1x16xf32> to vector<16xf32>
      %parallel_loop3A_165 = vector.shape_cast %parallel_loop3A_159 : vector<16xf32> to vector<1x16xf32>
      tpu.vector_store %arg6[%parallel_loop3A_161, %parallel_loop3A_162], %parallel_loop3A_165 {add = true, strides = array<i32>} : memref<8x1024xf32, #tpu.memory_space<vmem>>, vector<1x16xf32>,
      %parallel_loop3A_166 = arith.constant 5 : i32
      %parallel_loop3A_167 = arith.index_cast %parallel_loop3A_166 : i32 to index
      %parallel_loop3A_168 = arith.index_cast %parallel_loop3A_110 : i32 to index
      %parallel_loop3A_169 = tpu.vector_load %arg5[%parallel_loop3A_167, %parallel_loop3A_168] {strides = array<i32>} : memref<32x1024xf32, #tpu.memory_space<vmem>>, vector<1x16xf32>,
      %parallel_loop3A_170 = vector.shape_cast %parallel_loop3A_169 : vector<1x16xf32> to vector<16xf32>
      %parallel_loop3A_171 = arith.constant 5 : i32
      %parallel_loop3A_172 = arith.index_cast %parallel_loop3A_171 : i32 to index
      %parallel_loop3A_173 = arith.index_cast %parallel_loop3A_110 : i32 to index
      %parallel_loop3A_174 = tpu.vector_load %arg6[%parallel_loop3A_172, %parallel_loop3A_173] {strides = array<i32>} : memref<8x1024xf32, #tpu.memory_space<vmem>>, vector<1x16xf32>,
      %parallel_loop3A_175 = vector.shape_cast %parallel_loop3A_174 : vector<1x16xf32> to vector<16xf32>
      %parallel_loop3A_176 = vector.shape_cast %parallel_loop3A_170 : vector<16xf32> to vector<1x16xf32>
      tpu.vector_store %arg6[%parallel_loop3A_172, %parallel_loop3A_173], %parallel_loop3A_176 {add = true, strides = array<i32>} : memref<8x1024xf32, #tpu.memory_space<vmem>>, vector<1x16xf32>,
      %parallel_loop3A_177 = arith.constant 6 : i32
      %parallel_loop3A_178 = arith.index_cast %parallel_loop3A_177 : i32 to index
      %parallel_loop3A_179 = arith.index_cast %parallel_loop3A_110 : i32 to index
      %parallel_loop3A_180 = tpu.vector_load %arg5[%parallel_loop3A_178, %parallel_loop3A_179] {strides = array<i32>} : memref<32x1024xf32, #tpu.memory_space<vmem>>, vector<1x16xf32>,
      %parallel_loop3A_181 = vector.shape_cast %parallel_loop3A_180 : vector<1x16xf32> to vector<16xf32>
      %parallel_loop3A_182 = arith.constant 6 : i32
      %parallel_loop3A_183 = arith.index_cast %parallel_loop3A_182 : i32 to index
      %parallel_loop3A_184 = arith.index_cast %parallel_loop3A_110 : i32 to index
      %parallel_loop3A_185 = tpu.vector_load %arg6[%parallel_loop3A_183, %parallel_loop3A_184] {strides = array<i32>} : memref<8x1024xf32, #tpu.memory_space<vmem>>, vector<1x16xf32>,
      %parallel_loop3A_186 = vector.shape_cast %parallel_loop3A_185 : vector<1x16xf32> to vector<16xf32>
      %parallel_loop3A_187 = vector.shape_cast %parallel_loop3A_181 : vector<16xf32> to vector<1x16xf32>
      tpu.vector_store %arg6[%parallel_loop3A_183, %parallel_loop3A_184], %parallel_loop3A_187 {add = true, strides = array<i32>} : memref<8x1024xf32, #tpu.memory_space<vmem>>, vector<1x16xf32>,
      %parallel_loop3A_188 = arith.constant 7 : i32
      %parallel_loop3A_189 = arith.index_cast %parallel_loop3A_188 : i32 to index
      %parallel_loop3A_190 = arith.index_cast %parallel_loop3A_110 : i32 to index
      %parallel_loop3A_191 = tpu.vector_load %arg5[%parallel_loop3A_189, %parallel_loop3A_190] {strides = array<i32>} : memref<32x1024xf32, #tpu.memory_space<vmem>>, vector<1x16xf32>,
      %parallel_loop3A_192 = vector.shape_cast %parallel_loop3A_191 : vector<1x16xf32> to vector<16xf32>
      %parallel_loop3A_193 = arith.constant 7 : i32
      %parallel_loop3A_194 = arith.index_cast %parallel_loop3A_193 : i32 to index
      %parallel_loop3A_195 = arith.index_cast %parallel_loop3A_110 : i32 to index
      %parallel_loop3A_196 = tpu.vector_load %arg6[%parallel_loop3A_194, %parallel_loop3A_195] {strides = array<i32>} : memref<8x1024xf32, #tpu.memory_space<vmem>>, vector<1x16xf32>,
      %parallel_loop3A_197 = vector.shape_cast %parallel_loop3A_196 : vector<1x16xf32> to vector<16xf32>
      %parallel_loop3A_198 = vector.shape_cast %parallel_loop3A_192 : vector<16xf32> to vector<1x16xf32>
      tpu.vector_store %arg6[%parallel_loop3A_194, %parallel_loop3A_195], %parallel_loop3A_198 {add = true, strides = array<i32>} : memref<8x1024xf32, #tpu.memory_space<vmem>>, vector<1x16xf32>,
    } {sc.loop_unroll_factor = 2 : i64, sc.parallel_access}
    %dma_start3A_49 = arith.constant 0 : i32
    %dma_start3A_50 = tpu.memref_slice %arg4[%add3A_25, %dma_start3A_49] : memref<1024x1024xf32, #tpu.memory_space<hbm>> -> memref<8x1024xf32, #tpu.memory_space<hbm>>
    %dma_start3A_51 = arith.constant 0 : i32
    %dma_start3A_52 = tpu.memref_slice %arg4[%add3A_25, %dma_start3A_51] : memref<1024x1024xf32, #tpu.memory_space<hbm>> -> memref<8x1024xf32, #tpu.memory_space<hbm>>
    tpu.enqueue_dma source(%arg6 : memref<8x1024xf32, #tpu.memory_space<vmem>>) target(%dma_start3A_52 : memref<8x1024xf32, #tpu.memory_space<hbm>>) target_semaphore(%arg11 : memref<!tpu.dma_semaphore, #tpu.memory_space<semaphore_mem>>)
    %dma_wait3A_53 = arith.constant 0 : i32
    %dma_wait3A_54 = tpu.memref_slice %arg4[%add3A_25, %dma_wait3A_53] : memref<1024x1024xf32, #tpu.memory_space<hbm>> -> memref<8x1024xf32, #tpu.memory_space<hbm>>
    %dma_wait3A_55 = arith.constant 0 : i32
    %dma_wait3A_56 = tpu.memref_slice %arg4[%add3A_25, %dma_wait3A_55] : memref<1024x1024xf32, #tpu.memory_space<hbm>> -> memref<8x1024xf32, #tpu.memory_space<hbm>>
    tpu.wait_dma2 semaphore(%arg11 : memref<!tpu.dma_semaphore, #tpu.memory_space<semaphore_mem>>) src(%arg6 : memref<8x1024xf32, #tpu.memory_space<vmem>>) dst(%dma_wait3A_56 : memref<8x1024xf32, #tpu.memory_space<hbm>>)
    %dma_start3A_57 = arith.constant 0 : i32
    %dma_start3A_58 = tpu.memref_slice %arg2[%add3A_19, %dma_start3A_57] : memref<8192x1024xf32, #tpu.memory_space<hbm>> -> memref<8x1024xf32, #tpu.memory_space<hbm>>
    %dma_start3A_59 = arith.constant 0 : i32
    %dma_start3A_60 = tpu.memref_slice %arg2[%add3A_19, %dma_start3A_59] : memref<8192x1024xf32, #tpu.memory_space<hbm>> -> memref<8x1024xf32, #tpu.memory_space<hbm>>
    tpu.enqueue_dma source(%dma_start3A_60 : memref<8x1024xf32, #tpu.memory_space<hbm>>) target(%arg6 : memref<8x1024xf32, #tpu.memory_space<vmem>>) target_semaphore(%arg9 : memref<!tpu.dma_semaphore, #tpu.memory_space<semaphore_mem>>)
    %dma_wait3A_61 = arith.constant 0 : i32
    %dma_wait3A_62 = tpu.memref_slice %arg2[%add3A_15, %dma_wait3A_61] : memref<8192x1024xf32, #tpu.memory_space<hbm>> -> memref<8x1024xf32, #tpu.memory_space<hbm>>
    %dma_wait3A_63 = arith.constant 0 : i32
    %dma_wait3A_64 = tpu.memref_slice %arg2[%add3A_15, %dma_wait3A_63] : memref<8192x1024xf32, #tpu.memory_space<hbm>> -> memref<8x1024xf32, #tpu.memory_space<hbm>>
    tpu.wait_dma2 semaphore(%arg10 : memref<!tpu.dma_semaphore, #tpu.memory_space<semaphore_mem>>) src(%dma_wait3A_64 : memref<8x1024xf32, #tpu.memory_space<hbm>>) dst(%arg7 : memref<8x1024xf32, #tpu.memory_space<vmem>>)
    %parallel_loop3A_65 = arith.constant 0 : i32
    %parallel_loop3A_66 = arith.constant 1024 : i32
    %parallel_loop3A_67 = arith.constant 16 : i32
    scf.for %parallel_loop3A_110 = %parallel_loop3A_65 to %parallel_loop3A_66 step %parallel_loop3A_67  : i32 {
      %parallel_loop3A_111 = arith.constant 8 : i32
      %parallel_loop3A_112 = arith.index_cast %parallel_loop3A_111 : i32 to index
      %parallel_loop3A_113 = arith.index_cast %parallel_loop3A_110 : i32 to index
      %parallel_loop3A_114 = tpu.vector_load %arg5[%parallel_loop3A_112, %parallel_loop3A_113] {strides = array<i32>} : memref<32x1024xf32, #tpu.memory_space<vmem>>, vector<1x16xf32>,
      %parallel_loop3A_115 = vector.shape_cast %parallel_loop3A_114 : vector<1x16xf32> to vector<16xf32>
      %parallel_loop3A_116 = arith.constant 0 : i32
      %parallel_loop3A_117 = arith.index_cast %parallel_loop3A_116 : i32 to index
      %parallel_loop3A_118 = arith.index_cast %parallel_loop3A_110 : i32 to index
      %parallel_loop3A_119 = tpu.vector_load %arg7[%parallel_loop3A_117, %parallel_loop3A_118] {strides = array<i32>} : memref<8x1024xf32, #tpu.memory_space<vmem>>, vector<1x16xf32>,
      %parallel_loop3A_120 = vector.shape_cast %parallel_loop3A_119 : vector<1x16xf32> to vector<16xf32>
      %parallel_loop3A_121 = vector.shape_cast %parallel_loop3A_115 : vector<16xf32> to vector<1x16xf32>
      tpu.vector_store %arg7[%parallel_loop3A_117, %parallel_loop3A_118], %parallel_loop3A_121 {add = true, strides = array<i32>} : memref<8x1024xf32, #tpu.memory_space<vmem>>, vector<1x16xf32>,
      %parallel_loop3A_122 = arith.constant 9 : i32
      %parallel_loop3A_123 = arith.index_cast %parallel_loop3A_122 : i32 to index
      %parallel_loop3A_124 = arith.index_cast %parallel_loop3A_110 : i32 to index
      %parallel_loop3A_125 = tpu.vector_load %arg5[%parallel_loop3A_123, %parallel_loop3A_124] {strides = array<i32>} : memref<32x1024xf32, #tpu.memory_space<vmem>>, vector<1x16xf32>,
      %parallel_loop3A_126 = vector.shape_cast %parallel_loop3A_125 : vector<1x16xf32> to vector<16xf32>
      %parallel_loop3A_127 = arith.constant 1 : i32
      %parallel_loop3A_128 = arith.index_cast %parallel_loop3A_127 : i32 to index
      %parallel_loop3A_129 = arith.index_cast %parallel_loop3A_110 : i32 to index
      %parallel_loop3A_130 = tpu.vector_load %arg7[%parallel_loop3A_128, %parallel_loop3A_129] {strides = array<i32>} : memref<8x1024xf32, #tpu.memory_space<vmem>>, vector<1x16xf32>,
      %parallel_loop3A_131 = vector.shape_cast %parallel_loop3A_130 : vector<1x16xf32> to vector<16xf32>
      %parallel_loop3A_132 = vector.shape_cast %parallel_loop3A_126 : vector<16xf32> to vector<1x16xf32>
      tpu.vector_store %arg7[%parallel_loop3A_128, %parallel_loop3A_129], %parallel_loop3A_132 {add = true, strides = array<i32>} : memref<8x1024xf32, #tpu.memory_space<vmem>>, vector<1x16xf32>,
      %parallel_loop3A_133 = arith.constant 10 : i32
      %parallel_loop3A_134 = arith.index_cast %parallel_loop3A_133 : i32 to index
      %parallel_loop3A_135 = arith.index_cast %parallel_loop3A_110 : i32 to index
      %parallel_loop3A_136 = tpu.vector_load %arg5[%parallel_loop3A_134, %parallel_loop3A_135] {strides = array<i32>} : memref<32x1024xf32, #tpu.memory_space<vmem>>, vector<1x16xf32>,
      %parallel_loop3A_137 = vector.shape_cast %parallel_loop3A_136 : vector<1x16xf32> to vector<16xf32>
      %parallel_loop3A_138 = arith.constant 2 : i32
      %parallel_loop3A_139 = arith.index_cast %parallel_loop3A_138 : i32 to index
      %parallel_loop3A_140 = arith.index_cast %parallel_loop3A_110 : i32 to index
      %parallel_loop3A_141 = tpu.vector_load %arg7[%parallel_loop3A_139, %parallel_loop3A_140] {strides = array<i32>} : memref<8x1024xf32, #tpu.memory_space<vmem>>, vector<1x16xf32>,
      %parallel_loop3A_142 = vector.shape_cast %parallel_loop3A_141 : vector<1x16xf32> to vector<16xf32>
      %parallel_loop3A_143 = vector.shape_cast %parallel_loop3A_137 : vector<16xf32> to vector<1x16xf32>
      tpu.vector_store %arg7[%parallel_loop3A_139, %parallel_loop3A_140], %parallel_loop3A_143 {add = true, strides = array<i32>} : memref<8x1024xf32, #tpu.memory_space<vmem>>, vector<1x16xf32>,
      %parallel_loop3A_144 = arith.constant 11 : i32
      %parallel_loop3A_145 = arith.index_cast %parallel_loop3A_144 : i32 to index
      %parallel_loop3A_146 = arith.index_cast %parallel_loop3A_110 : i32 to index
      %parallel_loop3A_147 = tpu.vector_load %arg5[%parallel_loop3A_145, %parallel_loop3A_146] {strides = array<i32>} : memref<32x1024xf32, #tpu.memory_space<vmem>>, vector<1x16xf32>,
      %parallel_loop3A_148 = vector.shape_cast %parallel_loop3A_147 : vector<1x16xf32> to vector<16xf32>
      %parallel_loop3A_149 = arith.constant 3 : i32
      %parallel_loop3A_150 = arith.index_cast %parallel_loop3A_149 : i32 to index
      %parallel_loop3A_151 = arith.index_cast %parallel_loop3A_110 : i32 to index
      %parallel_loop3A_152 = tpu.vector_load %arg7[%parallel_loop3A_150, %parallel_loop3A_151] {strides = array<i32>} : memref<8x1024xf32, #tpu.memory_space<vmem>>, vector<1x16xf32>,
      %parallel_loop3A_153 = vector.shape_cast %parallel_loop3A_152 : vector<1x16xf32> to vector<16xf32>
      %parallel_loop3A_154 = vector.shape_cast %parallel_loop3A_148 : vector<16xf32> to vector<1x16xf32>
      tpu.vector_store %arg7[%parallel_loop3A_150, %parallel_loop3A_151], %parallel_loop3A_154 {add = true, strides = array<i32>} : memref<8x1024xf32, #tpu.memory_space<vmem>>, vector<1x16xf32>,
      %parallel_loop3A_155 = arith.constant 12 : i32
      %parallel_loop3A_156 = arith.index_cast %parallel_loop3A_155 : i32 to index
      %parallel_loop3A_157 = arith.index_cast %parallel_loop3A_110 : i32 to index
      %parallel_loop3A_158 = tpu.vector_load %arg5[%parallel_loop3A_156, %parallel_loop3A_157] {strides = array<i32>} : memref<32x1024xf32, #tpu.memory_space<vmem>>, vector<1x16xf32>,
      %parallel_loop3A_159 = vector.shape_cast %parallel_loop3A_158 : vector<1x16xf32> to vector<16xf32>
      %parallel_loop3A_160 = arith.constant 4 : i32
      %parallel_loop3A_161 = arith.index_cast %parallel_loop3A_160 : i32 to index
      %parallel_loop3A_162 = arith.index_cast %parallel_loop3A_110 : i32 to index
      %parallel_loop3A_163 = tpu.vector_load %arg7[%parallel_loop3A_161, %parallel_loop3A_162] {strides = array<i32>} : memref<8x1024xf32, #tpu.memory_space<vmem>>, vector<1x16xf32>,
      %parallel_loop3A_164 = vector.shape_cast %parallel_loop3A_163 : vector<1x16xf32> to vector<16xf32>
      %parallel_loop3A_165 = vector.shape_cast %parallel_loop3A_159 : vector<16xf32> to vector<1x16xf32>
      tpu.vector_store %arg7[%parallel_loop3A_161, %parallel_loop3A_162], %parallel_loop3A_165 {add = true, strides = array<i32>} : memref<8x1024xf32, #tpu.memory_space<vmem>>, vector<1x16xf32>,
      %parallel_loop3A_166 = arith.constant 13 : i32
      %parallel_loop3A_167 = arith.index_cast %parallel_loop3A_166 : i32 to index
      %parallel_loop3A_168 = arith.index_cast %parallel_loop3A_110 : i32 to index
      %parallel_loop3A_169 = tpu.vector_load %arg5[%parallel_loop3A_167, %parallel_loop3A_168] {strides = array<i32>} : memref<32x1024xf32, #tpu.memory_space<vmem>>, vector<1x16xf32>,
      %parallel_loop3A_170 = vector.shape_cast %parallel_loop3A_169 : vector<1x16xf32> to vector<16xf32>
      %parallel_loop3A_171 = arith.constant 5 : i32
      %parallel_loop3A_172 = arith.index_cast %parallel_loop3A_171 : i32 to index
      %parallel_loop3A_173 = arith.index_cast %parallel_loop3A_110 : i32 to index
      %parallel_loop3A_174 = tpu.vector_load %arg7[%parallel_loop3A_172, %parallel_loop3A_173] {strides = array<i32>} : memref<8x1024xf32, #tpu.memory_space<vmem>>, vector<1x16xf32>,
      %parallel_loop3A_175 = vector.shape_cast %parallel_loop3A_174 : vector<1x16xf32> to vector<16xf32>
      %parallel_loop3A_176 = vector.shape_cast %parallel_loop3A_170 : vector<16xf32> to vector<1x16xf32>
      tpu.vector_store %arg7[%parallel_loop3A_172, %parallel_loop3A_173], %parallel_loop3A_176 {add = true, strides = array<i32>} : memref<8x1024xf32, #tpu.memory_space<vmem>>, vector<1x16xf32>,
      %parallel_loop3A_177 = arith.constant 14 : i32
      %parallel_loop3A_178 = arith.index_cast %parallel_loop3A_177 : i32 to index
      %parallel_loop3A_179 = arith.index_cast %parallel_loop3A_110 : i32 to index
      %parallel_loop3A_180 = tpu.vector_load %arg5[%parallel_loop3A_178, %parallel_loop3A_179] {strides = array<i32>} : memref<32x1024xf32, #tpu.memory_space<vmem>>, vector<1x16xf32>,
      %parallel_loop3A_181 = vector.shape_cast %parallel_loop3A_180 : vector<1x16xf32> to vector<16xf32>
      %parallel_loop3A_182 = arith.constant 6 : i32
      %parallel_loop3A_183 = arith.index_cast %parallel_loop3A_182 : i32 to index
      %parallel_loop3A_184 = arith.index_cast %parallel_loop3A_110 : i32 to index
      %parallel_loop3A_185 = tpu.vector_load %arg7[%parallel_loop3A_183, %parallel_loop3A_184] {strides = array<i32>} : memref<8x1024xf32, #tpu.memory_space<vmem>>, vector<1x16xf32>,
      %parallel_loop3A_186 = vector.shape_cast %parallel_loop3A_185 : vector<1x16xf32> to vector<16xf32>
      %parallel_loop3A_187 = vector.shape_cast %parallel_loop3A_181 : vector<16xf32> to vector<1x16xf32>
      tpu.vector_store %arg7[%parallel_loop3A_183, %parallel_loop3A_184], %parallel_loop3A_187 {add = true, strides = array<i32>} : memref<8x1024xf32, #tpu.memory_space<vmem>>, vector<1x16xf32>,
      %parallel_loop3A_188 = arith.constant 15 : i32
      %parallel_loop3A_189 = arith.index_cast %parallel_loop3A_188 : i32 to index
      %parallel_loop3A_190 = arith.index_cast %parallel_loop3A_110 : i32 to index
      %parallel_loop3A_191 = tpu.vector_load %arg5[%parallel_loop3A_189, %parallel_loop3A_190] {strides = array<i32>} : memref<32x1024xf32, #tpu.memory_space<vmem>>, vector<1x16xf32>,
      %parallel_loop3A_192 = vector.shape_cast %parallel_loop3A_191 : vector<1x16xf32> to vector<16xf32>
      %parallel_loop3A_193 = arith.constant 7 : i32
      %parallel_loop3A_194 = arith.index_cast %parallel_loop3A_193 : i32 to index
      %parallel_loop3A_195 = arith.index_cast %parallel_loop3A_110 : i32 to index
      %parallel_loop3A_196 = tpu.vector_load %arg7[%parallel_loop3A_194, %parallel_loop3A_195] {strides = array<i32>} : memref<8x1024xf32, #tpu.memory_space<vmem>>, vector<1x16xf32>,
      %parallel_loop3A_197 = vector.shape_cast %parallel_loop3A_196 : vector<1x16xf32> to vector<16xf32>
      %parallel_loop3A_198 = vector.shape_cast %parallel_loop3A_192 : vector<16xf32> to vector<1x16xf32>
      tpu.vector_store %arg7[%parallel_loop3A_194, %parallel_loop3A_195], %parallel_loop3A_198 {add = true, strides = array<i32>} : memref<8x1024xf32, #tpu.memory_space<vmem>>, vector<1x16xf32>,
    } {sc.loop_unroll_factor = 2 : i64, sc.parallel_access}
    %dma_start3A_68 = arith.constant 0 : i32
    %dma_start3A_69 = tpu.memref_slice %arg4[%add3A_27, %dma_start3A_68] : memref<1024x1024xf32, #tpu.memory_space<hbm>> -> memref<8x1024xf32, #tpu.memory_space<hbm>>
    %dma_start3A_70 = arith.constant 0 : i32
    %dma_start3A_71 = tpu.memref_slice %arg4[%add3A_27, %dma_start3A_70] : memref<1024x1024xf32, #tpu.memory_space<hbm>> -> memref<8x1024xf32, #tpu.memory_space<hbm>>
    tpu.enqueue_dma source(%arg7 : memref<8x1024xf32, #tpu.memory_space<vmem>>) target(%dma_start3A_71 : memref<8x1024xf32, #tpu.memory_space<hbm>>) target_semaphore(%arg12 : memref<!tpu.dma_semaphore, #tpu.memory_space<semaphore_mem>>)
    %dma_wait3A_72 = arith.constant 0 : i32
    %dma_wait3A_73 = tpu.memref_slice %arg4[%add3A_27, %dma_wait3A_72] : memref<1024x1024xf32, #tpu.memory_space<hbm>> -> memref<8x1024xf32, #tpu.memory_space<hbm>>
    %dma_wait3A_74 = arith.constant 0 : i32
    %dma_wait3A_75 = tpu.memref_slice %arg4[%add3A_27, %dma_wait3A_74] : memref<1024x1024xf32, #tpu.memory_space<hbm>> -> memref<8x1024xf32, #tpu.memory_space<hbm>>
    tpu.wait_dma2 semaphore(%arg12 : memref<!tpu.dma_semaphore, #tpu.memory_space<semaphore_mem>>) src(%arg7 : memref<8x1024xf32, #tpu.memory_space<vmem>>) dst(%dma_wait3A_75 : memref<8x1024xf32, #tpu.memory_space<hbm>>)
    %dma_start3A_76 = arith.constant 0 : i32
    %dma_start3A_77 = tpu.memref_slice %arg2[%add3A_23, %dma_start3A_76] : memref<8192x1024xf32, #tpu.memory_space<hbm>> -> memref<8x1024xf32, #tpu.memory_space<hbm>>
    %dma_start3A_78 = arith.constant 0 : i32
    %dma_start3A_79 = tpu.memref_slice %arg2[%add3A_23, %dma_start3A_78] : memref<8192x1024xf32, #tpu.memory_space<hbm>> -> memref<8x1024xf32, #tpu.memory_space<hbm>>
    tpu.enqueue_dma source(%dma_start3A_79 : memref<8x1024xf32, #tpu.memory_space<hbm>>) target(%arg7 : memref<8x1024xf32, #tpu.memory_space<vmem>>) target_semaphore(%arg10 : memref<!tpu.dma_semaphore, #tpu.memory_space<semaphore_mem>>)
    %dma_wait3A_80 = arith.constant 0 : i32
    %dma_wait3A_81 = tpu.memref_slice %arg2[%add3A_19, %dma_wait3A_80] : memref<8192x1024xf32, #tpu.memory_space<hbm>> -> memref<8x1024xf32, #tpu.memory_space<hbm>>
    %dma_wait3A_82 = arith.constant 0 : i32
    %dma_wait3A_83 = tpu.memref_slice %arg2[%add3A_19, %dma_wait3A_82] : memref<8192x1024xf32, #tpu.memory_space<hbm>> -> memref<8x1024xf32, #tpu.memory_space<hbm>>
    tpu.wait_dma2 semaphore(%arg9 : memref<!tpu.dma_semaphore, #tpu.memory_space<semaphore_mem>>) src(%dma_wait3A_83 : memref<8x1024xf32, #tpu.memory_space<hbm>>) dst(%arg6 : memref<8x1024xf32, #tpu.memory_space<vmem>>)
    %parallel_loop3A_84 = arith.constant 0 : i32
    %parallel_loop3A_85 = arith.constant 1024 : i32
    %parallel_loop3A_86 = arith.constant 16 : i32
    scf.for %parallel_loop3A_110 = %parallel_loop3A_84 to %parallel_loop3A_85 step %parallel_loop3A_86  : i32 {
      %parallel_loop3A_111 = arith.constant 16 : i32
      %parallel_loop3A_112 = arith.index_cast %parallel_loop3A_111 : i32 to index
      %parallel_loop3A_113 = arith.index_cast %parallel_loop3A_110 : i32 to index
      %parallel_loop3A_114 = tpu.vector_load %arg5[%parallel_loop3A_112, %parallel_loop3A_113] {strides = array<i32>} : memref<32x1024xf32, #tpu.memory_space<vmem>>, vector<1x16xf32>,
      %parallel_loop3A_115 = vector.shape_cast %parallel_loop3A_114 : vector<1x16xf32> to vector<16xf32>
      %parallel_loop3A_116 = arith.constant 0 : i32
      %parallel_loop3A_117 = arith.index_cast %parallel_loop3A_116 : i32 to index
      %parallel_loop3A_118 = arith.index_cast %parallel_loop3A_110 : i32 to index
      %parallel_loop3A_119 = tpu.vector_load %arg6[%parallel_loop3A_117, %parallel_loop3A_118] {strides = array<i32>} : memref<8x1024xf32, #tpu.memory_space<vmem>>, vector<1x16xf32>,
      %parallel_loop3A_120 = vector.shape_cast %parallel_loop3A_119 : vector<1x16xf32> to vector<16xf32>
      %parallel_loop3A_121 = vector.shape_cast %parallel_loop3A_115 : vector<16xf32> to vector<1x16xf32>
      tpu.vector_store %arg6[%parallel_loop3A_117, %parallel_loop3A_118], %parallel_loop3A_121 {add = true, strides = array<i32>} : memref<8x1024xf32, #tpu.memory_space<vmem>>, vector<1x16xf32>,
      %parallel_loop3A_122 = arith.constant 17 : i32
      %parallel_loop3A_123 = arith.index_cast %parallel_loop3A_122 : i32 to index
      %parallel_loop3A_124 = arith.index_cast %parallel_loop3A_110 : i32 to index
      %parallel_loop3A_125 = tpu.vector_load %arg5[%parallel_loop3A_123, %parallel_loop3A_124] {strides = array<i32>} : memref<32x1024xf32, #tpu.memory_space<vmem>>, vector<1x16xf32>,
      %parallel_loop3A_126 = vector.shape_cast %parallel_loop3A_125 : vector<1x16xf32> to vector<16xf32>
      %parallel_loop3A_127 = arith.constant 1 : i32
      %parallel_loop3A_128 = arith.index_cast %parallel_loop3A_127 : i32 to index
      %parallel_loop3A_129 = arith.index_cast %parallel_loop3A_110 : i32 to index
      %parallel_loop3A_130 = tpu.vector_load %arg6[%parallel_loop3A_128, %parallel_loop3A_129] {strides = array<i32>} : memref<8x1024xf32, #tpu.memory_space<vmem>>, vector<1x16xf32>,
      %parallel_loop3A_131 = vector.shape_cast %parallel_loop3A_130 : vector<1x16xf32> to vector<16xf32>
      %parallel_loop3A_132 = vector.shape_cast %parallel_loop3A_126 : vector<16xf32> to vector<1x16xf32>
      tpu.vector_store %arg6[%parallel_loop3A_128, %parallel_loop3A_129], %parallel_loop3A_132 {add = true, strides = array<i32>} : memref<8x1024xf32, #tpu.memory_space<vmem>>, vector<1x16xf32>,
      %parallel_loop3A_133 = arith.constant 18 : i32
      %parallel_loop3A_134 = arith.index_cast %parallel_loop3A_133 : i32 to index
      %parallel_loop3A_135 = arith.index_cast %parallel_loop3A_110 : i32 to index
      %parallel_loop3A_136 = tpu.vector_load %arg5[%parallel_loop3A_134, %parallel_loop3A_135] {strides = array<i32>} : memref<32x1024xf32, #tpu.memory_space<vmem>>, vector<1x16xf32>,
      %parallel_loop3A_137 = vector.shape_cast %parallel_loop3A_136 : vector<1x16xf32> to vector<16xf32>
      %parallel_loop3A_138 = arith.constant 2 : i32
      %parallel_loop3A_139 = arith.index_cast %parallel_loop3A_138 : i32 to index
      %parallel_loop3A_140 = arith.index_cast %parallel_loop3A_110 : i32 to index
      %parallel_loop3A_141 = tpu.vector_load %arg6[%parallel_loop3A_139, %parallel_loop3A_140] {strides = array<i32>} : memref<8x1024xf32, #tpu.memory_space<vmem>>, vector<1x16xf32>,
      %parallel_loop3A_142 = vector.shape_cast %parallel_loop3A_141 : vector<1x16xf32> to vector<16xf32>
      %parallel_loop3A_143 = vector.shape_cast %parallel_loop3A_137 : vector<16xf32> to vector<1x16xf32>
      tpu.vector_store %arg6[%parallel_loop3A_139, %parallel_loop3A_140], %parallel_loop3A_143 {add = true, strides = array<i32>} : memref<8x1024xf32, #tpu.memory_space<vmem>>, vector<1x16xf32>,
      %parallel_loop3A_144 = arith.constant 19 : i32
      %parallel_loop3A_145 = arith.index_cast %parallel_loop3A_144 : i32 to index
      %parallel_loop3A_146 = arith.index_cast %parallel_loop3A_110 : i32 to index
      %parallel_loop3A_147 = tpu.vector_load %arg5[%parallel_loop3A_145, %parallel_loop3A_146] {strides = array<i32>} : memref<32x1024xf32, #tpu.memory_space<vmem>>, vector<1x16xf32>,
      %parallel_loop3A_148 = vector.shape_cast %parallel_loop3A_147 : vector<1x16xf32> to vector<16xf32>
      %parallel_loop3A_149 = arith.constant 3 : i32
      %parallel_loop3A_150 = arith.index_cast %parallel_loop3A_149 : i32 to index
      %parallel_loop3A_151 = arith.index_cast %parallel_loop3A_110 : i32 to index
      %parallel_loop3A_152 = tpu.vector_load %arg6[%parallel_loop3A_150, %parallel_loop3A_151] {strides = array<i32>} : memref<8x1024xf32, #tpu.memory_space<vmem>>, vector<1x16xf32>,
      %parallel_loop3A_153 = vector.shape_cast %parallel_loop3A_152 : vector<1x16xf32> to vector<16xf32>
      %parallel_loop3A_154 = vector.shape_cast %parallel_loop3A_148 : vector<16xf32> to vector<1x16xf32>
      tpu.vector_store %arg6[%parallel_loop3A_150, %parallel_loop3A_151], %parallel_loop3A_154 {add = true, strides = array<i32>} : memref<8x1024xf32, #tpu.memory_space<vmem>>, vector<1x16xf32>,
      %parallel_loop3A_155 = arith.constant 20 : i32
      %parallel_loop3A_156 = arith.index_cast %parallel_loop3A_155 : i32 to index
      %parallel_loop3A_157 = arith.index_cast %parallel_loop3A_110 : i32 to index
      %parallel_loop3A_158 = tpu.vector_load %arg5[%parallel_loop3A_156, %parallel_loop3A_157] {strides = array<i32>} : memref<32x1024xf32, #tpu.memory_space<vmem>>, vector<1x16xf32>,
      %parallel_loop3A_159 = vector.shape_cast %parallel_loop3A_158 : vector<1x16xf32> to vector<16xf32>
      %parallel_loop3A_160 = arith.constant 4 : i32
      %parallel_loop3A_161 = arith.index_cast %parallel_loop3A_160 : i32 to index
      %parallel_loop3A_162 = arith.index_cast %parallel_loop3A_110 : i32 to index
      %parallel_loop3A_163 = tpu.vector_load %arg6[%parallel_loop3A_161, %parallel_loop3A_162] {strides = array<i32>} : memref<8x1024xf32, #tpu.memory_space<vmem>>, vector<1x16xf32>,
      %parallel_loop3A_164 = vector.shape_cast %parallel_loop3A_163 : vector<1x16xf32> to vector<16xf32>
      %parallel_loop3A_165 = vector.shape_cast %parallel_loop3A_159 : vector<16xf32> to vector<1x16xf32>
      tpu.vector_store %arg6[%parallel_loop3A_161, %parallel_loop3A_162], %parallel_loop3A_165 {add = true, strides = array<i32>} : memref<8x1024xf32, #tpu.memory_space<vmem>>, vector<1x16xf32>,
      %parallel_loop3A_166 = arith.constant 21 : i32
      %parallel_loop3A_167 = arith.index_cast %parallel_loop3A_166 : i32 to index
      %parallel_loop3A_168 = arith.index_cast %parallel_loop3A_110 : i32 to index
      %parallel_loop3A_169 = tpu.vector_load %arg5[%parallel_loop3A_167, %parallel_loop3A_168] {strides = array<i32>} : memref<32x1024xf32, #tpu.memory_space<vmem>>, vector<1x16xf32>,
      %parallel_loop3A_170 = vector.shape_cast %parallel_loop3A_169 : vector<1x16xf32> to vector<16xf32>
      %parallel_loop3A_171 = arith.constant 5 : i32
      %parallel_loop3A_172 = arith.index_cast %parallel_loop3A_171 : i32 to index
      %parallel_loop3A_173 = arith.index_cast %parallel_loop3A_110 : i32 to index
      %parallel_loop3A_174 = tpu.vector_load %arg6[%parallel_loop3A_172, %parallel_loop3A_173] {strides = array<i32>} : memref<8x1024xf32, #tpu.memory_space<vmem>>, vector<1x16xf32>,
      %parallel_loop3A_175 = vector.shape_cast %parallel_loop3A_174 : vector<1x16xf32> to vector<16xf32>
      %parallel_loop3A_176 = vector.shape_cast %parallel_loop3A_170 : vector<16xf32> to vector<1x16xf32>
      tpu.vector_store %arg6[%parallel_loop3A_172, %parallel_loop3A_173], %parallel_loop3A_176 {add = true, strides = array<i32>} : memref<8x1024xf32, #tpu.memory_space<vmem>>, vector<1x16xf32>,
      %parallel_loop3A_177 = arith.constant 22 : i32
      %parallel_loop3A_178 = arith.index_cast %parallel_loop3A_177 : i32 to index
      %parallel_loop3A_179 = arith.index_cast %parallel_loop3A_110 : i32 to index
      %parallel_loop3A_180 = tpu.vector_load %arg5[%parallel_loop3A_178, %parallel_loop3A_179] {strides = array<i32>} : memref<32x1024xf32, #tpu.memory_space<vmem>>, vector<1x16xf32>,
      %parallel_loop3A_181 = vector.shape_cast %parallel_loop3A_180 : vector<1x16xf32> to vector<16xf32>
      %parallel_loop3A_182 = arith.constant 6 : i32
      %parallel_loop3A_183 = arith.index_cast %parallel_loop3A_182 : i32 to index
      %parallel_loop3A_184 = arith.index_cast %parallel_loop3A_110 : i32 to index
      %parallel_loop3A_185 = tpu.vector_load %arg6[%parallel_loop3A_183, %parallel_loop3A_184] {strides = array<i32>} : memref<8x1024xf32, #tpu.memory_space<vmem>>, vector<1x16xf32>,
      %parallel_loop3A_186 = vector.shape_cast %parallel_loop3A_185 : vector<1x16xf32> to vector<16xf32>
      %parallel_loop3A_187 = vector.shape_cast %parallel_loop3A_181 : vector<16xf32> to vector<1x16xf32>
      tpu.vector_store %arg6[%parallel_loop3A_183, %parallel_loop3A_184], %parallel_loop3A_187 {add = true, strides = array<i32>} : memref<8x1024xf32, #tpu.memory_space<vmem>>, vector<1x16xf32>,
      %parallel_loop3A_188 = arith.constant 23 : i32
      %parallel_loop3A_189 = arith.index_cast %parallel_loop3A_188 : i32 to index
      %parallel_loop3A_190 = arith.index_cast %parallel_loop3A_110 : i32 to index
      %parallel_loop3A_191 = tpu.vector_load %arg5[%parallel_loop3A_189, %parallel_loop3A_190] {strides = array<i32>} : memref<32x1024xf32, #tpu.memory_space<vmem>>, vector<1x16xf32>,
      %parallel_loop3A_192 = vector.shape_cast %parallel_loop3A_191 : vector<1x16xf32> to vector<16xf32>
      %parallel_loop3A_193 = arith.constant 7 : i32
      %parallel_loop3A_194 = arith.index_cast %parallel_loop3A_193 : i32 to index
      %parallel_loop3A_195 = arith.index_cast %parallel_loop3A_110 : i32 to index
      %parallel_loop3A_196 = tpu.vector_load %arg6[%parallel_loop3A_194, %parallel_loop3A_195] {strides = array<i32>} : memref<8x1024xf32, #tpu.memory_space<vmem>>, vector<1x16xf32>,
      %parallel_loop3A_197 = vector.shape_cast %parallel_loop3A_196 : vector<1x16xf32> to vector<16xf32>
      %parallel_loop3A_198 = vector.shape_cast %parallel_loop3A_192 : vector<16xf32> to vector<1x16xf32>
      tpu.vector_store %arg6[%parallel_loop3A_194, %parallel_loop3A_195], %parallel_loop3A_198 {add = true, strides = array<i32>} : memref<8x1024xf32, #tpu.memory_space<vmem>>, vector<1x16xf32>,
    } {sc.loop_unroll_factor = 2 : i64, sc.parallel_access}
    %dma_start3A_87 = arith.constant 0 : i32
    %dma_start3A_88 = tpu.memref_slice %arg4[%add3A_29, %dma_start3A_87] : memref<1024x1024xf32, #tpu.memory_space<hbm>> -> memref<8x1024xf32, #tpu.memory_space<hbm>>
    %dma_start3A_89 = arith.constant 0 : i32
    %dma_start3A_90 = tpu.memref_slice %arg4[%add3A_29, %dma_start3A_89] : memref<1024x1024xf32, #tpu.memory_space<hbm>> -> memref<8x1024xf32, #tpu.memory_space<hbm>>
    tpu.enqueue_dma source(%arg6 : memref<8x1024xf32, #tpu.memory_space<vmem>>) target(%dma_start3A_90 : memref<8x1024xf32, #tpu.memory_space<hbm>>) target_semaphore(%arg11 : memref<!tpu.dma_semaphore, #tpu.memory_space<semaphore_mem>>)
    %dma_wait3A_91 = arith.constant 0 : i32
    %dma_wait3A_92 = tpu.memref_slice %arg2[%add3A_23, %dma_wait3A_91] : memref<8192x1024xf32, #tpu.memory_space<hbm>> -> memref<8x1024xf32, #tpu.memory_space<hbm>>
    %dma_wait3A_93 = arith.constant 0 : i32
    %dma_wait3A_94 = tpu.memref_slice %arg2[%add3A_23, %dma_wait3A_93] : memref<8192x1024xf32, #tpu.memory_space<hbm>> -> memref<8x1024xf32, #tpu.memory_space<hbm>>
    tpu.wait_dma2 semaphore(%arg10 : memref<!tpu.dma_semaphore, #tpu.memory_space<semaphore_mem>>) src(%dma_wait3A_94 : memref<8x1024xf32, #tpu.memory_space<hbm>>) dst(%arg7 : memref<8x1024xf32, #tpu.memory_space<vmem>>)
    %parallel_loop3A_95 = arith.constant 0 : i32
    %parallel_loop3A_96 = arith.constant 1024 : i32
    %parallel_loop3A_97 = arith.constant 16 : i32
    scf.for %parallel_loop3A_110 = %parallel_loop3A_95 to %parallel_loop3A_96 step %parallel_loop3A_97  : i32 {
      %parallel_loop3A_111 = arith.constant 24 : i32
      %parallel_loop3A_112 = arith.index_cast %parallel_loop3A_111 : i32 to index
      %parallel_loop3A_113 = arith.index_cast %parallel_loop3A_110 : i32 to index
      %parallel_loop3A_114 = tpu.vector_load %arg5[%parallel_loop3A_112, %parallel_loop3A_113] {strides = array<i32>} : memref<32x1024xf32, #tpu.memory_space<vmem>>, vector<1x16xf32>,
      %parallel_loop3A_115 = vector.shape_cast %parallel_loop3A_114 : vector<1x16xf32> to vector<16xf32>
      %parallel_loop3A_116 = arith.constant 0 : i32
      %parallel_loop3A_117 = arith.index_cast %parallel_loop3A_116 : i32 to index
      %parallel_loop3A_118 = arith.index_cast %parallel_loop3A_110 : i32 to index
      %parallel_loop3A_119 = tpu.vector_load %arg7[%parallel_loop3A_117, %parallel_loop3A_118] {strides = array<i32>} : memref<8x1024xf32, #tpu.memory_space<vmem>>, vector<1x16xf32>,
      %parallel_loop3A_120 = vector.shape_cast %parallel_loop3A_119 : vector<1x16xf32> to vector<16xf32>
      %parallel_loop3A_121 = vector.shape_cast %parallel_loop3A_115 : vector<16xf32> to vector<1x16xf32>
      tpu.vector_store %arg7[%parallel_loop3A_117, %parallel_loop3A_118], %parallel_loop3A_121 {add = true, strides = array<i32>} : memref<8x1024xf32, #tpu.memory_space<vmem>>, vector<1x16xf32>,
      %parallel_loop3A_122 = arith.constant 25 : i32
      %parallel_loop3A_123 = arith.index_cast %parallel_loop3A_122 : i32 to index
      %parallel_loop3A_124 = arith.index_cast %parallel_loop3A_110 : i32 to index
      %parallel_loop3A_125 = tpu.vector_load %arg5[%parallel_loop3A_123, %parallel_loop3A_124] {strides = array<i32>} : memref<32x1024xf32, #tpu.memory_space<vmem>>, vector<1x16xf32>,
      %parallel_loop3A_126 = vector.shape_cast %parallel_loop3A_125 : vector<1x16xf32> to vector<16xf32>
      %parallel_loop3A_127 = arith.constant 1 : i32
      %parallel_loop3A_128 = arith.index_cast %parallel_loop3A_127 : i32 to index
      %parallel_loop3A_129 = arith.index_cast %parallel_loop3A_110 : i32 to index
      %parallel_loop3A_130 = tpu.vector_load %arg7[%parallel_loop3A_128, %parallel_loop3A_129] {strides = array<i32>} : memref<8x1024xf32, #tpu.memory_space<vmem>>, vector<1x16xf32>,
      %parallel_loop3A_131 = vector.shape_cast %parallel_loop3A_130 : vector<1x16xf32> to vector<16xf32>
      %parallel_loop3A_132 = vector.shape_cast %parallel_loop3A_126 : vector<16xf32> to vector<1x16xf32>
      tpu.vector_store %arg7[%parallel_loop3A_128, %parallel_loop3A_129], %parallel_loop3A_132 {add = true, strides = array<i32>} : memref<8x1024xf32, #tpu.memory_space<vmem>>, vector<1x16xf32>,
      %parallel_loop3A_133 = arith.constant 26 : i32
      %parallel_loop3A_134 = arith.index_cast %parallel_loop3A_133 : i32 to index
      %parallel_loop3A_135 = arith.index_cast %parallel_loop3A_110 : i32 to index
      %parallel_loop3A_136 = tpu.vector_load %arg5[%parallel_loop3A_134, %parallel_loop3A_135] {strides = array<i32>} : memref<32x1024xf32, #tpu.memory_space<vmem>>, vector<1x16xf32>,
      %parallel_loop3A_137 = vector.shape_cast %parallel_loop3A_136 : vector<1x16xf32> to vector<16xf32>
      %parallel_loop3A_138 = arith.constant 2 : i32
      %parallel_loop3A_139 = arith.index_cast %parallel_loop3A_138 : i32 to index
      %parallel_loop3A_140 = arith.index_cast %parallel_loop3A_110 : i32 to index
      %parallel_loop3A_141 = tpu.vector_load %arg7[%parallel_loop3A_139, %parallel_loop3A_140] {strides = array<i32>} : memref<8x1024xf32, #tpu.memory_space<vmem>>, vector<1x16xf32>,
      %parallel_loop3A_142 = vector.shape_cast %parallel_loop3A_141 : vector<1x16xf32> to vector<16xf32>
      %parallel_loop3A_143 = vector.shape_cast %parallel_loop3A_137 : vector<16xf32> to vector<1x16xf32>
      tpu.vector_store %arg7[%parallel_loop3A_139, %parallel_loop3A_140], %parallel_loop3A_143 {add = true, strides = array<i32>} : memref<8x1024xf32, #tpu.memory_space<vmem>>, vector<1x16xf32>,
      %parallel_loop3A_144 = arith.constant 27 : i32
      %parallel_loop3A_145 = arith.index_cast %parallel_loop3A_144 : i32 to index
      %parallel_loop3A_146 = arith.index_cast %parallel_loop3A_110 : i32 to index
      %parallel_loop3A_147 = tpu.vector_load %arg5[%parallel_loop3A_145, %parallel_loop3A_146] {strides = array<i32>} : memref<32x1024xf32, #tpu.memory_space<vmem>>, vector<1x16xf32>,
      %parallel_loop3A_148 = vector.shape_cast %parallel_loop3A_147 : vector<1x16xf32> to vector<16xf32>
      %parallel_loop3A_149 = arith.constant 3 : i32
      %parallel_loop3A_150 = arith.index_cast %parallel_loop3A_149 : i32 to index
      %parallel_loop3A_151 = arith.index_cast %parallel_loop3A_110 : i32 to index
      %parallel_loop3A_152 = tpu.vector_load %arg7[%parallel_loop3A_150, %parallel_loop3A_151] {strides = array<i32>} : memref<8x1024xf32, #tpu.memory_space<vmem>>, vector<1x16xf32>,
      %parallel_loop3A_153 = vector.shape_cast %parallel_loop3A_152 : vector<1x16xf32> to vector<16xf32>
      %parallel_loop3A_154 = vector.shape_cast %parallel_loop3A_148 : vector<16xf32> to vector<1x16xf32>
      tpu.vector_store %arg7[%parallel_loop3A_150, %parallel_loop3A_151], %parallel_loop3A_154 {add = true, strides = array<i32>} : memref<8x1024xf32, #tpu.memory_space<vmem>>, vector<1x16xf32>,
      %parallel_loop3A_155 = arith.constant 28 : i32
      %parallel_loop3A_156 = arith.index_cast %parallel_loop3A_155 : i32 to index
      %parallel_loop3A_157 = arith.index_cast %parallel_loop3A_110 : i32 to index
      %parallel_loop3A_158 = tpu.vector_load %arg5[%parallel_loop3A_156, %parallel_loop3A_157] {strides = array<i32>} : memref<32x1024xf32, #tpu.memory_space<vmem>>, vector<1x16xf32>,
      %parallel_loop3A_159 = vector.shape_cast %parallel_loop3A_158 : vector<1x16xf32> to vector<16xf32>
      %parallel_loop3A_160 = arith.constant 4 : i32
      %parallel_loop3A_161 = arith.index_cast %parallel_loop3A_160 : i32 to index
      %parallel_loop3A_162 = arith.index_cast %parallel_loop3A_110 : i32 to index
      %parallel_loop3A_163 = tpu.vector_load %arg7[%parallel_loop3A_161, %parallel_loop3A_162] {strides = array<i32>} : memref<8x1024xf32, #tpu.memory_space<vmem>>, vector<1x16xf32>,
      %parallel_loop3A_164 = vector.shape_cast %parallel_loop3A_163 : vector<1x16xf32> to vector<16xf32>
      %parallel_loop3A_165 = vector.shape_cast %parallel_loop3A_159 : vector<16xf32> to vector<1x16xf32>
      tpu.vector_store %arg7[%parallel_loop3A_161, %parallel_loop3A_162], %parallel_loop3A_165 {add = true, strides = array<i32>} : memref<8x1024xf32, #tpu.memory_space<vmem>>, vector<1x16xf32>,
      %parallel_loop3A_166 = arith.constant 29 : i32
      %parallel_loop3A_167 = arith.index_cast %parallel_loop3A_166 : i32 to index
      %parallel_loop3A_168 = arith.index_cast %parallel_loop3A_110 : i32 to index
      %parallel_loop3A_169 = tpu.vector_load %arg5[%parallel_loop3A_167, %parallel_loop3A_168] {strides = array<i32>} : memref<32x1024xf32, #tpu.memory_space<vmem>>, vector<1x16xf32>,
      %parallel_loop3A_170 = vector.shape_cast %parallel_loop3A_169 : vector<1x16xf32> to vector<16xf32>
      %parallel_loop3A_171 = arith.constant 5 : i32
      %parallel_loop3A_172 = arith.index_cast %parallel_loop3A_171 : i32 to index
      %parallel_loop3A_173 = arith.index_cast %parallel_loop3A_110 : i32 to index
      %parallel_loop3A_174 = tpu.vector_load %arg7[%parallel_loop3A_172, %parallel_loop3A_173] {strides = array<i32>} : memref<8x1024xf32, #tpu.memory_space<vmem>>, vector<1x16xf32>,
      %parallel_loop3A_175 = vector.shape_cast %parallel_loop3A_174 : vector<1x16xf32> to vector<16xf32>
      %parallel_loop3A_176 = vector.shape_cast %parallel_loop3A_170 : vector<16xf32> to vector<1x16xf32>
      tpu.vector_store %arg7[%parallel_loop3A_172, %parallel_loop3A_173], %parallel_loop3A_176 {add = true, strides = array<i32>} : memref<8x1024xf32, #tpu.memory_space<vmem>>, vector<1x16xf32>,
      %parallel_loop3A_177 = arith.constant 30 : i32
      %parallel_loop3A_178 = arith.index_cast %parallel_loop3A_177 : i32 to index
      %parallel_loop3A_179 = arith.index_cast %parallel_loop3A_110 : i32 to index
      %parallel_loop3A_180 = tpu.vector_load %arg5[%parallel_loop3A_178, %parallel_loop3A_179] {strides = array<i32>} : memref<32x1024xf32, #tpu.memory_space<vmem>>, vector<1x16xf32>,
      %parallel_loop3A_181 = vector.shape_cast %parallel_loop3A_180 : vector<1x16xf32> to vector<16xf32>
      %parallel_loop3A_182 = arith.constant 6 : i32
      %parallel_loop3A_183 = arith.index_cast %parallel_loop3A_182 : i32 to index
      %parallel_loop3A_184 = arith.index_cast %parallel_loop3A_110 : i32 to index
      %parallel_loop3A_185 = tpu.vector_load %arg7[%parallel_loop3A_183, %parallel_loop3A_184] {strides = array<i32>} : memref<8x1024xf32, #tpu.memory_space<vmem>>, vector<1x16xf32>,
      %parallel_loop3A_186 = vector.shape_cast %parallel_loop3A_185 : vector<1x16xf32> to vector<16xf32>
      %parallel_loop3A_187 = vector.shape_cast %parallel_loop3A_181 : vector<16xf32> to vector<1x16xf32>
      tpu.vector_store %arg7[%parallel_loop3A_183, %parallel_loop3A_184], %parallel_loop3A_187 {add = true, strides = array<i32>} : memref<8x1024xf32, #tpu.memory_space<vmem>>, vector<1x16xf32>,
      %parallel_loop3A_188 = arith.constant 31 : i32
      %parallel_loop3A_189 = arith.index_cast %parallel_loop3A_188 : i32 to index
      %parallel_loop3A_190 = arith.index_cast %parallel_loop3A_110 : i32 to index
      %parallel_loop3A_191 = tpu.vector_load %arg5[%parallel_loop3A_189, %parallel_loop3A_190] {strides = array<i32>} : memref<32x1024xf32, #tpu.memory_space<vmem>>, vector<1x16xf32>,
      %parallel_loop3A_192 = vector.shape_cast %parallel_loop3A_191 : vector<1x16xf32> to vector<16xf32>
      %parallel_loop3A_193 = arith.constant 7 : i32
      %parallel_loop3A_194 = arith.index_cast %parallel_loop3A_193 : i32 to index
      %parallel_loop3A_195 = arith.index_cast %parallel_loop3A_110 : i32 to index
      %parallel_loop3A_196 = tpu.vector_load %arg7[%parallel_loop3A_194, %parallel_loop3A_195] {strides = array<i32>} : memref<8x1024xf32, #tpu.memory_space<vmem>>, vector<1x16xf32>,
      %parallel_loop3A_197 = vector.shape_cast %parallel_loop3A_196 : vector<1x16xf32> to vector<16xf32>
      %parallel_loop3A_198 = vector.shape_cast %parallel_loop3A_192 : vector<16xf32> to vector<1x16xf32>
      tpu.vector_store %arg7[%parallel_loop3A_194, %parallel_loop3A_195], %parallel_loop3A_198 {add = true, strides = array<i32>} : memref<8x1024xf32, #tpu.memory_space<vmem>>, vector<1x16xf32>,
    } {sc.loop_unroll_factor = 2 : i64, sc.parallel_access}
    %dma_start3A_98 = arith.constant 0 : i32
    %dma_start3A_99 = tpu.memref_slice %arg4[%add3A_31, %dma_start3A_98] : memref<1024x1024xf32, #tpu.memory_space<hbm>> -> memref<8x1024xf32, #tpu.memory_space<hbm>>
    %dma_start3A_100 = arith.constant 0 : i32
    %dma_start3A_101 = tpu.memref_slice %arg4[%add3A_31, %dma_start3A_100] : memref<1024x1024xf32, #tpu.memory_space<hbm>> -> memref<8x1024xf32, #tpu.memory_space<hbm>>
    tpu.enqueue_dma source(%arg7 : memref<8x1024xf32, #tpu.memory_space<vmem>>) target(%dma_start3A_101 : memref<8x1024xf32, #tpu.memory_space<hbm>>) target_semaphore(%arg12 : memref<!tpu.dma_semaphore, #tpu.memory_space<semaphore_mem>>)
    %dma_wait3A_102 = arith.constant 0 : i32
    %dma_wait3A_103 = tpu.memref_slice %arg4[%add3A_29, %dma_wait3A_102] : memref<1024x1024xf32, #tpu.memory_space<hbm>> -> memref<8x1024xf32, #tpu.memory_space<hbm>>
    %dma_wait3A_104 = arith.constant 0 : i32
    %dma_wait3A_105 = tpu.memref_slice %arg4[%add3A_29, %dma_wait3A_104] : memref<1024x1024xf32, #tpu.memory_space<hbm>> -> memref<8x1024xf32, #tpu.memory_space<hbm>>
    tpu.wait_dma2 semaphore(%arg11 : memref<!tpu.dma_semaphore, #tpu.memory_space<semaphore_mem>>) src(%arg6 : memref<8x1024xf32, #tpu.memory_space<vmem>>) dst(%dma_wait3A_105 : memref<8x1024xf32, #tpu.memory_space<hbm>>)
    %dma_wait3A_106 = arith.constant 0 : i32
    %dma_wait3A_107 = tpu.memref_slice %arg4[%add3A_31, %dma_wait3A_106] : memref<1024x1024xf32, #tpu.memory_space<hbm>> -> memref<8x1024xf32, #tpu.memory_space<hbm>>
    %dma_wait3A_108 = arith.constant 0 : i32
    %dma_wait3A_109 = tpu.memref_slice %arg4[%add3A_31, %dma_wait3A_108] : memref<1024x1024xf32, #tpu.memory_space<hbm>> -> memref<8x1024xf32, #tpu.memory_space<hbm>>
    tpu.wait_dma2 semaphore(%arg12 : memref<!tpu.dma_semaphore, #tpu.memory_space<semaphore_mem>>) src(%arg7 : memref<8x1024xf32, #tpu.memory_space<vmem>>) dst(%dma_wait3A_109 : memref<8x1024xf32, #tpu.memory_space<hbm>>)
    return
  }
}

module attributes {stable_mosaic.version = 14 : i64} {
  func.func @_tc_body(%arg0: i32, %arg1: memref<1024x1024xf32, #tpu.memory_space<vmem>>, %arg2: memref<4096x1024xf32, #tpu.memory_space<any>>, %arg3: memref<1024x1024xf32, #tpu.memory_space<vmem>>, %arg4: memref<2048x1024xf32, #tpu.memory_space<vmem>>, %arg5: memref<!tpu.dma_semaphore, #tpu.memory_space<semaphore_mem>>, %arg6: memref<!tpu.dma_semaphore, #tpu.memory_space<semaphore_mem>>) attributes {dimension_semantics = [#tpu.dimension_semantics<arbitrary>], iteration_bounds = array<i64: 7>, scalar_prefetch = 0 : i64, scratch_operands = 3 : i64, tpu.core_type = #tpu.core_type<tc>, window_params = [{transform_indices = @transform_0, window_bounds = array<i64: 1024, 1024>}, {}, {transform_indices = @transform_2, window_bounds = array<i64: 1024, 1024>}]} {
    %eq3A = arith.constant 0 : i32
    %eq3A_0 = arith.cmpi eq, %arg0, %eq3A : i32
    %convert_element_type3A = arith.extui %eq3A_0 : i1 to i32
    %cond3A = arith.constant 0 : i32
    %cond3A_1 = arith.cmpi ne, %convert_element_type3A, %cond3A : i32
    scf.if %cond3A_1 {
      %dma_start3A = arith.constant 0 : i32
      %dma_start3A_25 = arith.constant 0 : i32
      %dma_start3A_26 = tpu.memref_slice %arg4[%dma_start3A, %dma_start3A_25] : memref<2048x1024xf32, #tpu.memory_space<vmem>> -> memref<1024x1024xf32, #tpu.memory_space<vmem>>
      %dma_start3A_27 = arith.constant 0 : i32
      %dma_start3A_28 = arith.constant 0 : i32
      %dma_start3A_29 = tpu.memref_slice %arg2[%dma_start3A_27, %dma_start3A_28] : memref<4096x1024xf32, #tpu.memory_space<any>> -> memref<1024x1024xf32, #tpu.memory_space<any>>
      tpu.enqueue_dma source(%dma_start3A_29 : memref<1024x1024xf32, #tpu.memory_space<any>>) target(%dma_start3A_26 : memref<1024x1024xf32, #tpu.memory_space<vmem>>) target_semaphore(%arg5 : memref<!tpu.dma_semaphore, #tpu.memory_space<semaphore_mem>>)
      %dma_start3A_30 = arith.constant 1024 : i32
      %dma_start3A_31 = arith.constant 0 : i32
      %dma_start3A_32 = tpu.memref_slice %arg4[%dma_start3A_30, %dma_start3A_31] : memref<2048x1024xf32, #tpu.memory_space<vmem>> -> memref<1024x1024xf32, #tpu.memory_space<vmem>>
      %dma_start3A_33 = arith.constant 1024 : i32
      %dma_start3A_34 = arith.constant 0 : i32
      %dma_start3A_35 = tpu.memref_slice %arg2[%dma_start3A_33, %dma_start3A_34] : memref<4096x1024xf32, #tpu.memory_space<any>> -> memref<1024x1024xf32, #tpu.memory_space<any>>
      tpu.enqueue_dma source(%dma_start3A_35 : memref<1024x1024xf32, #tpu.memory_space<any>>) target(%dma_start3A_32 : memref<1024x1024xf32, #tpu.memory_space<vmem>>) target_semaphore(%arg6 : memref<!tpu.dma_semaphore, #tpu.memory_space<semaphore_mem>>)
      %dma_wait3A = arith.constant 0 : i32
      %dma_wait3A_36 = arith.constant 0 : i32
      %dma_wait3A_37 = tpu.memref_slice %arg4[%dma_wait3A, %dma_wait3A_36] : memref<2048x1024xf32, #tpu.memory_space<vmem>> -> memref<1024x1024xf32, #tpu.memory_space<vmem>>
      %dma_wait3A_38 = arith.constant 0 : i32
      %dma_wait3A_39 = arith.constant 0 : i32
      %dma_wait3A_40 = tpu.memref_slice %arg2[%dma_wait3A_38, %dma_wait3A_39] : memref<4096x1024xf32, #tpu.memory_space<any>> -> memref<1024x1024xf32, #tpu.memory_space<any>>
      tpu.wait_dma2 semaphore(%arg5 : memref<!tpu.dma_semaphore, #tpu.memory_space<semaphore_mem>>) src(%dma_wait3A_40 : memref<1024x1024xf32, #tpu.memory_space<any>>) dst(%dma_wait3A_37 : memref<1024x1024xf32, #tpu.memory_space<vmem>>)
    } else {
    }
    %eq3A_2 = arith.constant 1 : i32
    %eq3A_3 = arith.cmpi eq, %arg0, %eq3A_2 : i32
    %convert_element_type3A_4 = arith.extui %eq3A_3 : i1 to i32
    %cond3A_5 = arith.constant 0 : i32
    %cond3A_6 = arith.cmpi ne, %convert_element_type3A_4, %cond3A_5 : i32
    scf.if %cond3A_6 {
      %dma_wait3A = arith.constant 1024 : i32
      %dma_wait3A_25 = arith.constant 0 : i32
      %dma_wait3A_26 = tpu.memref_slice %arg4[%dma_wait3A, %dma_wait3A_25] : memref<2048x1024xf32, #tpu.memory_space<vmem>> -> memref<1024x1024xf32, #tpu.memory_space<vmem>>
      %dma_wait3A_27 = arith.constant 1024 : i32
      %dma_wait3A_28 = arith.constant 0 : i32
      %dma_wait3A_29 = tpu.memref_slice %arg2[%dma_wait3A_27, %dma_wait3A_28] : memref<4096x1024xf32, #tpu.memory_space<any>> -> memref<1024x1024xf32, #tpu.memory_space<any>>
      tpu.wait_dma2 semaphore(%arg6 : memref<!tpu.dma_semaphore, #tpu.memory_space<semaphore_mem>>) src(%dma_wait3A_29 : memref<1024x1024xf32, #tpu.memory_space<any>>) dst(%dma_wait3A_26 : memref<1024x1024xf32, #tpu.memory_space<vmem>>)
    } else {
    }
    %jit3A = arith.constant 2 : i32
    %eq3A_7 = arith.constant 0 : i32
    %eq3A_8 = arith.cmpi eq, %jit3A, %eq3A_7 : i32
    %jit3A_9 = arith.constant 1 : i32
    %select_n3A = arith.select %eq3A_8, %jit3A_9, %jit3A : i32
    %rem3A = arith.remsi %arg0, %select_n3A : i32
    %ne3A = arith.constant 0 : i32
    %ne3A_10 = arith.cmpi ne, %rem3A, %ne3A : i32
    %lt3A = arith.constant 0 : i32
    %lt3A_11 = arith.cmpi slt, %rem3A, %lt3A : i32
    %lt3A_12 = arith.constant 0 : i32
    %lt3A_13 = arith.cmpi slt, %select_n3A, %lt3A_12 : i32
    %ne3A_14 = arith.xori %lt3A_11, %lt3A_13 : i1
    %and3A = arith.andi %ne3A_14, %ne3A_10 : i1
    %add3A = arith.addi %rem3A, %select_n3A : i32
    %select_n3A_15 = arith.select %and3A, %add3A, %rem3A : i32
    %mul3A = arith.constant 1024 : i32
    %mul3A_16 = arith.muli %select_n3A_15, %mul3A : i32
    %get3A = arith.constant 0 : index
    %get3A_17 = arith.constant 0 : index
    %get3A_18 = vector.load %arg1[%get3A, %get3A_17] : memref<1024x1024xf32, #tpu.memory_space<vmem>>, vector<1024x1024xf32>
    %get3A_19 = arith.index_cast %mul3A_16 : i32 to index
    %get3A_20 = arith.constant 0 : index
    %get3A_21 = vector.load %arg4[%get3A_19, %get3A_20] : memref<2048x1024xf32, #tpu.memory_space<vmem>>, vector<1024x1024xf32>
    %add3A_22 = arith.addf %get3A_18, %get3A_21 : vector<1024x1024xf32>
    %swap3A = arith.constant 0 : index
    %swap3A_23 = arith.constant 0 : index
    %swap3A_24 = vector.load %arg3[%swap3A, %swap3A_23] : memref<1024x1024xf32, #tpu.memory_space<vmem>>, vector<1024x1024xf32>
    tpu.vector_store %arg3[%swap3A, %swap3A_23], %add3A_22 {strides = array<i32>} : memref<1024x1024xf32, #tpu.memory_space<vmem>>, vector<1024x1024xf32>,
    return
  }
  func.func @transform_0(%arg0: i32) -> (i32, i32) {
    %c0_i32 = arith.constant 0 : i32
    %c0_i32_0 = arith.constant 0 : i32
    return %arg0, %c0_i32 : i32, i32
  }
  func.func @transform_2(%arg0: i32) -> (i32, i32) {
    %c0_i32 = arith.constant 0 : i32
    %c0_i32_0 = arith.constant 0 : i32
    return %arg0, %c0_i32 : i32, i32
  }
}

</mosaic_0001>

<sc_bundles>
// kernel: kernel.4.cloned.1.call-start
scs
__scs_entry_jumppad:
0x0: {  	(pc) =	sbr.rel $0x88, $3  }
0x1: {  	(tag) =	ssettag $0x0;
	lr =	simm.s32 $0x1  }
0x2: {  	[smem:$0x3F9F] =	sst lr;
	_ =	strace $0xD0000000  }
0x3: {  	_ = 	snop  }
0x4: {  	_ = 	snop  }
0x5: {  	_ = 	snop  }
0x6: {  	_ = 	snop  }
0x7: {  	_ = 	snop  }
__scs_overlays_trampoline_lowered:
0x8: {  	[smem:$0x3FAE] =	sst s0  }
0x9: {  	[smem:$0x3FAF] =	sst s1  }
0xa: {  	[smem:$0x3FB0] =	sst s2  }
0xb: {  	[smem:$0x3FB1] =	sst s3  }
0xc: {  	[smem:$0x3FB2] =	sst s4  }
0xd: {  	[smem:$0x3FB3] =	sst s5  }
0xe: {  	[smem:$0x3FB4] =	sst s6  }
0xf: {  	[smem:$0x3FB5] =	sst s7  }
0x10: {  	[smem:$0x3FB6] =	sst s8  }
0x11: {  	[smem:$0x3FB7] =	sst s9;
	s0 =	simm.s32 @!p0 $0x0  }
0x12: {  	s1 =	sld [smem:$0x3F9D];
	s0 =	simm.s32 @p0 $0x1  }
0x13: {  	[smem:$0x3FB8] =	sst s0;
	s0 =	simm.s32 @!p1 $0x0  }
0x14: {  	s2 =	sld [smem:$0x3F9C];
	s0 =	simm.s32 @p1 $0x1  }
0x15: {  	[smem:$0x3FB9] =	sst s0;
	s0 =	simm.s32 @!p2 $0x0  }
0x16: {  	s3 =	sld [smem:$0x3FDB];
	s0 =	simm.s32 @p2 $0x1  }
0x17: {  	s4 =	simm.s32 $0x1BF5;
	[smem:$0x3FBB] =	sst s0  }
0x18: {  	s0 =	sld [smem:$0x3F9E];
	_ =	swait.ge [sflag:s4], $0x0  }
0x19: {  	s7 =	sld [smem:$0x3F9F]  }
0x1a: {  	s8 =	sadd.s32 $0xFFFFE003, lr  }
0x1b: {  	s9 =	sadd.s32 $0xFFFFFEF7, lr;
	s5 =	simm.s32 $0xFFFFFFFF;
	p2 =	slt.u32 s8, $0xFFFFF086  }
0x1c: {  	p1 =	slt.u32 s9, $0xF7A;
	s5 =	simm.s32 @!p2 $0x0  }
0x1d: {  	s5 =	simm.s32 @p1 $0x1;
	p0 =	seq.s32 s7, s2  }
0x1e: {  	s7 =	smul.u32 @!p0 $0xF7A, s2;
	p2 =	seq.s32 @!p0 s5, $0x0  }
0x1f: {  	s9 =	smul.u32 $0xF7A, s1;
	s8 =	simm.s32 @!p0 $0x1BF5;
	p2 =	por !p2, p0  }
0x20: {  	[sflag:s8] =	ssyncset.s32 @!p0 $0xFFFFF086;
	s6 =	sadd.s32 @!p0 s3, s7;
	s7 =	simm.s32 @!p0 $0x108  }
0x21: {  	s3 =	sadd.s32 s3, s9;
	s6 =	sadd.s32 @!p0 $0x88, s6;
	s7 =	simm.s32 @p2 $0x1082  }
0x22: {  	[simem:s7], [sflag:s8] =	dma.local @!p0 [hbm:s6], $0xF7A  }
0x23: {  	s9 =	sor.u32 $0xD0000000, s2;
	s6 =	simm.s32 $0x108;
	_ =	swait.ge @!p0 [sflag:s8], $0x0  }
0x24: {  	s3 =	sadd.s32 $0x88, s3;
	s6 =	simm.s32 @!p1 $0x1082;
	[sflag:s4] =	ssyncset.s32 $0xFFFFF086  }
0x25: {  	[simem:s6], [sflag:s4] =	dma.local [hbm:s3], $0xF7A  }
0x26: {  	[smem:$0x3F9F] =	sst s1;
	(tag) =	ssettag s2;
	_ =	strace s9  }
0x27: {  	s1 =	sld [smem:$0x3FAF]  }
0x28: {  	s2 =	sld [smem:$0x3FB0]  }
0x29: {  	s4 =	sld [smem:$0x3FB2]  }
0x2a: {  	p0 =	seq.s32 s5, $0x0;
	s5 =	sld [smem:$0x3FB3]  }
0x2b: {  	s6 =	sld [smem:$0x3FB4]  }
0x2c: {  	s7 =	sld [smem:$0x3FB5]  }
0x2d: {  	s3 =	simm.s32 $0x108;
	s8 =	sld [smem:$0x3FB6]  }
0x2e: {  	s3 =	simm.s32 @!p0 $0x1082;
	s9 =	sld [smem:$0x3FB7]  }
0x2f: {  	lr =	sadd.s32 s0, s3;
	s0 =	sld [smem:$0x3FAE]  }
0x30: {  	s3 =	sld [smem:$0x3FB1]  }
0x31: {  	[smem:$0x3FBA] =	sst s10  }
0x32: {  	s10 =	sld [smem:$0x3FB8];
	_ =	sdelay $0x3  }
0x33: {  	p0 =	seq.s32 s10, $0x1;
	s10 =	sld [smem:$0x3FBA];
	_ =	sdelay $0x3  }
0x34: {  	[smem:$0x3FBA] =	sst s10  }
0x35: {  	s10 =	sld [smem:$0x3FB9];
	_ =	sdelay $0x3  }
0x36: {  	p1 =	seq.s32 s10, $0x1;
	s10 =	sld [smem:$0x3FBA];
	_ =	sdelay $0x3  }
0x37: {  	[smem:$0x3FBA] =	sst s10  }
0x38: {  	s10 =	sld [smem:$0x3FBB]  }
0x39: {  	_ = 	snop;
	(pc) =	sbr.ind lr, $3  }
0x3a: {  	_ = 	snop  }
0x3b: {  	_ = 	snop  }
0x3c: {  	p2 =	seq.s32 s10, $0x1;
	s10 =	sld [smem:$0x3FBA]  }
0x3d: {  	_ =	shalt  }
0x3e: {  	_ =	shalt  }
0x3f: {  	_ =	shalt  }
0x40: {  	_ =	shalt  }
0x41: {  	_ =	shalt  }
0x42: {  	_ =	shalt  }
0x43: {  	_ =	shalt  }
0x44: {  	_ =	shalt  }
0x45: {  	_ =	shalt  }
0x46: {  	_ =	shalt  }
0x47: {  	_ =	shalt  }
0x48: {  	_ =	shalt  }
0x49: {  	_ =	shalt  }
0x4a: {  	_ =	shalt  }
0x4b: {  	_ =	shalt  }
0x4c: {  	_ =	shalt  }
0x4d: {  	_ =	shalt  }
0x4e: {  	_ =	shalt  }
0x4f: {  	_ =	shalt  }
0x50: {  	_ =	shalt  }
0x51: {  	_ =	shalt  }
0x52: {  	_ =	shalt  }
0x53: {  	_ =	shalt  }
0x54: {  	_ =	shalt  }
0x55: {  	_ =	shalt  }
0x56: {  	_ =	shalt  }
0x57: {  	_ =	shalt  }
0x58: {  	_ =	shalt  }
0x59: {  	_ =	shalt  }
0x5a: {  	_ =	shalt  }
0x5b: {  	_ =	shalt  }
0x5c: {  	_ =	shalt  }
0x5d: {  	_ =	shalt  }
0x5e: {  	_ =	shalt  }
0x5f: {  	_ =	shalt  }
0x60: {  	_ =	shalt  }
0x61: {  	_ =	shalt  }
0x62: {  	_ =	shalt  }
0x63: {  	_ =	shalt  }
0x64: {  	_ =	shalt  }
0x65: {  	_ =	shalt  }
0x66: {  	_ =	shalt  }
0x67: {  	_ =	shalt  }
0x68: {  	_ =	shalt  }
0x69: {  	_ =	shalt  }
0x6a: {  	_ =	shalt  }
0x6b: {  	_ =	shalt  }
0x6c: {  	_ =	shalt  }
0x6d: {  	_ =	shalt  }
0x6e: {  	_ =	shalt  }
0x6f: {  	_ =	shalt  }
0x70: {  	_ =	shalt  }
0x71: {  	_ =	shalt  }
0x72: {  	_ =	shalt  }
0x73: {  	_ =	shalt  }
0x74: {  	_ =	shalt  }
0x75: {  	_ =	shalt  }
0x76: {  	_ =	shalt  }
0x77: {  	_ =	shalt  }
0x78: {  	_ =	shalt  }
0x79: {  	_ =	shalt  }
0x7a: {  	_ =	shalt  }
0x7b: {  	_ =	shalt  }
0x7c: {  	_ =	shalt  }
0x7d: {  	_ =	shalt  }
0x7e: {  	_ =	shalt  }
0x7f: {  	_ =	shalt  }
0x80: {  	_ =	shalt  }
0x81: {  	_ =	shalt  }
0x82: {  	_ =	shalt  }
0x83: {  	_ =	shalt  }
0x84: {  	_ =	shalt  }
0x85: {  	_ =	shalt  }
0x86: {  	_ =	shalt  }
0x87: {  	_ =	shalt  }
.Lfunc_end0:
.L_simem_size_0:
called_computation_lowered:
.L_overlay_start_0:
0x88: {  	s2 =	sld [smem:$0x3FD9]  }
0x89: {  	s3 =	sld [smem:$0x3FFE];
	_ =	sdelay $0x1  }
0x8a: {  	s1 =	srdreg.scid  }
0x8b: {  	s0 =	sand.u32 $0x1, s1  }
0x8c: {  	s17 =	sshll.u32 s0, $0xA;
	s2 =	sadd.s32 s3, s2  }
0x8d: {  	s2 =	sadd.s32 s2, s17  }
0x8e: {  	[smem:$0x3FC6] =	sst s2  }
0x8f: {  	_ = 	snop  }
0x90: {  	s2 =	sld [smem:$0x3FC9]  }
0x91: {  	s18 =	sld [smem:$0x3FC8];
	(tm) =	ssettm $0x1  }
0x92: {  	s4 =	sld [smem:$0x3FFB];
	_ =	sdelay $0x3  }
0x93: {  	_ =	strace s4  }
0x94: {  	s4 =	sld [smem:$0x3FFC];
	_ =	sdelay $0x3  }
0x95: {  	_ =	strace s4  }
0x96: {  	s4 =	sld [smem:$0x3FFD];
	_ =	sdelay $0x3  }
0x97: {  	_ =	strace s4  }
0x98: {  	_ =	strace $0x8FFFFFFF  }
0x99: {  	s19 =	sld [smem:$0x3FDB];
	_ =	sdelay $0x1  }
0x9a: {  	s5 =	simm.s32 $_scs_section_size  }
0x9b: {  	s6 =	simm.s32 $_size__tile_overlayer_lowered;
	s7 =	simm.s32 $_tile_overlayer_lowered  }
0x9c: {  	s22 =	simm.s32 $0x1BFF;
	s21 =	sshll.u32 s7, $0x1;
	s4 =	sadd.s32 s5, s19  }
0x9d: {  	s8 =	simm.s32 $0x0;
	s20 =	sshll.u32 s6, $0x1;
	s6 =	sadd.s32 s21, s4  }
0x9e: {  	[timem:s8], [sflag:s22] =	dma.local [hbm:s6], s20  }
0x9f: {  	_ =	swait.ge [sflag:s22], s20  }
0xa0: {  	s5 =	ssub.s32 $0x0, s20;
	[sflag:s22] =	ssyncset.done $0x0  }
0xa1: {  	[sflag:s22] =	ssyncadd.s32 s5;
	_ =	sdelay $0x1  }
0xa2: {  	s23 =	simm.s32 $0x1B8B  }
0xa3: {  	_ =	swait.ge [sflag:s23], $0x1  }
0xa4: {  	[sflag:s23] =	ssyncset.done $0x0  }
0xa5: {  	s25 =	simm.s32 $0x1B8E;
	s24 =	sld [smem:$0x3FFE];
	[sflag:s23] =	ssyncadd.s32 $0xFFFFFFFF  }
0xa6: {  	s26 =	simm.s32 $execute0_lowered;
	[smem:$0x3FD2] =	sst s25  }
0xa7: {  	s6 =	sshll.u32 s26, $0x1;
	_ =	strace $0x80000046;
	[dreg:$0x1] =	wrdreg $0xFFFFFFFF  }
0xa8: {  	s28 =	simm.s32 $_size_execute0_lowered;
	s4 =	sadd.s32 s4, s6;
	[dreg:$0x0] =	wrdreg $0x0  }
0xa9: {  	s6 =	sshll.u32 s28, $0x1;
	[dreg:$0x2] =	wrdreg s4  }
0xaa: {  	[dreg:$0x3] =	wrdreg s6  }
0xab: {  	[dreg:$0x4] =	wrdreg $0xC0  }
0xac: {  	_ =	task [dreg:s8], $0x5FFFF  }
0xad: {  	[dreg:$0x1] =	wrdreg $0xFFFFFFFF  }
0xae: {  	[dreg:$0x0] =	wrdreg $0x60  }
0xaf: {  	[dreg:$0x2] =	wrdreg s2  }
0xb0: {  	[dreg:$0x3] =	wrdreg s18  }
0xb1: {  	[dreg:$0x4] =	wrdreg s24  }
0xb2: {  	[dreg:$0x5] =	wrdreg $0x9  }
0xb3: {  	_ =	task.clear_ibuf [dreg:s8], $0x6FFFF;
	_ =	strace $0x90000046  }
0xb4: {  	s29 =	simm.s32 $0x9;
	_ =	strace $0x80000048  }
0xb5: {  	_ =	swait.ge [sflag:s29], $0x1  }
0xb6: {  	[sflag:s29] =	ssyncadd.s32 $0xFFFFFFFF  }
0xb7: {  	_ =	strace $0x90000048  }
0xb8: {  	_ =	sfence  }
0xb9: {  	s30 =	sld [smem:$0x0];
	_ =	sdelay $0x2  }
0xba: {  	s31 =	sshll.u32 s1, $0xD;
	s1 =	sshrl.u32 s1, $0x2  }
0xbb: {  	s3 =	sand.u32 $0x4000, s31;
	s1 =	sadd.s32 s1, s30  }
0xbc: {  	s0 =	sor.u32 s3, s0;
	s1 =	sshll.u32 s1, $0x11  }
0xbd: {  	s0 =	sor.u32 s1, s0  }
0xbe: {  	s0 =	sadd.s32 $0x8F2B, s0  }
0xbf: {  	[sflag:s0] =	ssyncadd.remote.s32 $0x1  }
0xc0: {  	_ =	sfence.sel $0xFFFF  }
0xc1: {  	[dreg:$0x0] =	wrdreg $0xFFFFFFFF;
	(pc) =	sbr.abs _section_cstart, $3  }
0xc2: {  	[dreg:$0x1] =	wrdreg $0xFFFFFFFF  }
0xc3: {  	_ =	task.clear_ibuf [dreg:s8], $0x2FFFF;
	_ =	strace $0x9FFFFFFF  }
0xc4: {  	(tm) =	ssettm $0x7FFFFFFF  }
0xc5: {  	_ =	shalt  }
tec
execute0_lowered:
.L_overlay_start_1:
0x0: {  	(tag) =	ssettag $0x1  }
0x1: {  	s2 =	srdreg.scid  }
0x2: {  	s5 =	stileid.u32;
	s4 =	sand.u32 $0x1, s2  }
0x3: {  	s0 =	rddreg [dreg:$0x0];
	s5 =	sshll.u32 s5, $0xD;
	s6 =	sshll.u32 s4, $0xC  }
0x4: {  	s1 =	rddreg [dreg:$0x1];
	s5 =	sor.u32 s6, s5  }
0x5: {  	s3 =	rddreg [dreg:$0x2];
	s2 =	simm.s32 $0x0;
	s1 =	sadd.s32 s5, s1  }
0x6: {  	[smem:$0x7FF] =	sst s2;
	s0 =	sadd.s32 s5, s0;
	s1 =	sadd.s32 $0x20000, s1  }
0x7: {  	_ =	strace $0x80000047;
	s23 =	sadd.s32 $0xE0000, s0;
	[dreg:$0x4] =	wrdreg s1  }
0x8: {  	s3 =	sadd.s32 s5, s3;
	s24 =	sadd.s32 $0xE0400, s0;
	[dreg:$0x5] =	wrdreg s23  }
0x9: {  	s25 =	sadd.s32 $0x600, s3;
	[dreg:$0x6] =	wrdreg s24  }
0xa: {  	s18 =	simm.s32 $0x8000;
	s26 =	sadd.s32 $0xE0800, s0;
	[dreg:$0x7] =	wrdreg s25  }
0xb: {  	s17 =	simm.s32 $0xA000;
	s28 =	sadd.s32 $0xA00, s3;
	[dreg:$0x8] =	wrdreg s26  }
0xc: {  	s4 =	ssub.s32 $0x2, s4;
	s0 =	sadd.s32 $0xE0C00, s0;
	[dreg:$0x9] =	wrdreg s28  }
0xd: {  	s22 =	sshrl.u32 s4, $0x1;
	s29 =	sadd.s32 $0xE00, s3;
	[dreg:$0xa] =	wrdreg s0  }
0xe: {  	s4 =	ssub.s32 s4, s22;
	s30 =	sadd.s32 $0x1200, s3;
	[dreg:$0xb] =	wrdreg s29  }
0xf: {  	s10 =	simm.s32 $0x4;
	s31 =	smax.u32 s4, $0x1;
	[dreg:$0xc] =	wrdreg s30  }
0x10: {  	s19 =	simm.s32 $0x5;
	s20 =	simm.s32 $0x0;
	[dreg:$0xd] =	wrdreg s31  }
.LBB2_1:
0x11: {  	s0 =	rddreg [dreg:$0x4]  }
0x12: {  	[tilespmem:s2], [sflag:$0x1] =	stream.linear.gather [hbm4b:s0+s2], $0x8000, $0x38;
	[tilespmem:$0xC000] =	vst v63  }
0x13: {  	s24 =	rddreg [dreg:$0x5]  }
0x14: {  	[tilespmem:s18], [sflag:$0x2] =	stream.linear.gather [hbm4b:s24+s2], $0x2000, $0x38;
	[tilespmem:$0xC000] =	vst v63  }
0x15: {  	s25 =	rddreg [dreg:$0x6];
	s26 =	simm.s32 $0x2  }
0x16: {  	[tilespmem:s17], [sflag:$0x3] =	stream.linear.gather [hbm4b:s25+s2], $0x2000, $0x38;
	[tilespmem:$0xC000] =	vst v63  }
0x17: {  	_ =	swait.ge [sflag:s26], $0x2000  }
0x18: {  	[sflag:s26] =	ssyncset.done $0x0  }
0x19: {  	s4 =	simm.s32 $0x1;
	[sflag:s26] =	ssyncadd.s32 $0xFFFFE000  }
0x1a: {  	s0 =	simm.s32 $0x0;
	_ =	swait.ge [sflag:s4], $0x8000  }
0x1b: {  	s3 =	sand.u32 $0x1C00, s2;
	s1 =	sand.u32 $0x60, s0;
	[sflag:s4] =	ssyncset.done $0x0  }
0x1c: {  	s1 =	sor.u32 s1, s3;
	[sflag:s4] =	ssyncadd.s32 $0xFFFF8000  }
0x1d: {  	v0 =	vld [tilespmem:s1+$0x10];
	_ =	sdelay $0x1  }
0x1e: {  	v1 =	vld [tilespmem:s1+$0x0];
	_ =	sdelay $0x1  }
0x1f: {  	s3 =	sor.u32 $0x8010, s1  }
0x20: {  	[tilespmem:s3+$0x0] =	vst.add.f32.msk $0xffff, v0  }
0x21: {  	s28 =	sor.u32 $0x8000, s1;
	v0 =	vld [tilespmem:s1+$0x90]  }
0x22: {  	[tilespmem:s28+$0x0] =	vst.add.f32.msk $0xffff, v1  }
0x23: {  	v1 =	vld [tilespmem:s1+$0x80];
	_ =	sdelay $0x1  }
0x24: {  	s29 =	sor.u32 $0x8090, s1  }
0x25: {  	[tilespmem:s29+$0x0] =	vst.add.f32.msk $0xffff, v0  }
0x26: {  	s30 =	sor.u32 $0x8080, s1;
	v0 =	vld [tilespmem:s1+$0x110]  }
0x27: {  	[tilespmem:s30+$0x0] =	vst.add.f32.msk $0xffff, v1  }
0x28: {  	v1 =	vld [tilespmem:s1+$0x100];
	_ =	sdelay $0x1  }
0x29: {  	s31 =	sor.u32 $0x8110, s1  }
0x2a: {  	[tilespmem:s31+$0x0] =	vst.add.f32.msk $0xffff, v0  }
0x2b: {  	s4 =	sor.u32 $0x8100, s1;
	v0 =	vld [tilespmem:s1+$0x190]  }
0x2c: {  	[tilespmem:s4+$0x0] =	vst.add.f32.msk $0xffff, v1  }
0x2d: {  	v1 =	vld [tilespmem:s1+$0x180];
	_ =	sdelay $0x1  }
0x2e: {  	s5 =	sor.u32 $0x8190, s1  }
0x2f: {  	[tilespmem:s5+$0x0] =	vst.add.f32.msk $0xffff, v0  }
0x30: {  	s6 =	sor.u32 $0x8180, s1;
	v0 =	vld [tilespmem:s1+$0x210]  }
0x31: {  	s21 =	simm.s32 $0x20;
	s22 =	simm.s32 $0x100;
	[tilespmem:s6+$0x0] =	vst.add.f32.msk $0xffff, v1  }
0x32: {  	s8 =	sand.u32 $0x60, s21;
	s9 =	sand.u32 $0x1C00, s22;
	v1 =	vld [tilespmem:s1+$0x200]  }
0x33: {  	s23 =	sor.u32 s8, s9  }
0x34: {  	s7 =	sor.u32 $0x8210, s1;
	v2 =	vld [tilespmem:s23+$0x10]  }
0x35: {  	[tilespmem:s7+$0x0] =	vst.add.f32.msk $0xffff, v0  }
0x36: {  	s12 =	sor.u32 $0x8200, s1;
	v0 =	vld [tilespmem:s1+$0x290]  }
0x37: {  	s11 =	sand.u32 $0x3, s2;
	[tilespmem:s12+$0x0] =	vst.add.f32.msk $0xffff, v1  }
0x38: {  	s3 =	sshll.u32 s11, $0x5;
	s6 =	sor.u32 $0x8010, s23;
	v1 =	vld [tilespmem:s23+$0x0]  }
0x39: {  	s3 =	sadd.s32 $0x0, s3;
	[tilespmem:s6+$0x0] =	vst.add.f32.msk $0xffff, v2  }
0x3a: {  	s13 =	sor.u32 $0x8290, s1;
	s5 =	sadd.s32 $0x10, s3;
	v2 =	vld [tilespmem:s23+$0x90]  }
0x3b: {  	s14 =	sor.u32 $0x300, s5;
	[tilespmem:s13+$0x0] =	vst.add.f32.msk $0xffff, v0  }
0x3c: {  	s15 =	sor.u32 $0x8000, s23;
	v0 =	vld [tilespmem:s14+$0x0]  }
0x3d: {  	[tilespmem:s15+$0x0] =	vst.add.f32.msk $0xffff, v1  }
0x3e: {  	s24 =	sor.u32 $0x8090, s23;
	v1 =	vld [tilespmem:s23+$0x80]  }
0x3f: {  	[tilespmem:s24+$0x0] =	vst.add.f32.msk $0xffff, v2  }
0x40: {  	v2 =	vld [tilespmem:s23+$0x110]  }
0x41: {  	s16 =	sor.u32 $0x380, s5;
	[tilespmem:s14+$0x8000] =	vst.add.f32.msk $0xffff, v0  }
0x42: {  	s25 =	sor.u32 $0x8080, s23;
	v0 =	vld [tilespmem:s16+$0x0]  }
0x43: {  	[tilespmem:s25+$0x0] =	vst.add.f32.msk $0xffff, v1  }
0x44: {  	v1 =	vld [tilespmem:s23+$0x100]  }
0x45: {  	s26 =	sor.u32 $0x8110, s23;
	v3 =	vld [tilespmem:s1+$0x280]  }
0x46: {  	[tilespmem:s26+$0x0] =	vst.add.f32.msk $0xffff, v2  }
0x47: {  	[tilespmem:s16+$0x8000] =	vst.add.f32.msk $0xffff, v0  }
0x48: {  	s28 =	sor.u32 $0x8100, s23;
	v0 =	vld [tilespmem:s23+$0x190]  }
0x49: {  	[tilespmem:s28+$0x0] =	vst.add.f32.msk $0xffff, v1  }
0x4a: {  	s1 =	sor.u32 $0x8280, s1;
	v1 =	vld [tilespmem:s23+$0x180]  }
0x4b: {  	s3 =	sor.u32 $0x300, s3;
	[tilespmem:s1+$0x0] =	vst.add.f32.msk $0xffff, v3  }
0x4c: {  	s29 =	sor.u32 $0x8190, s23;
	v3 =	vld [tilespmem:s3+$0x0]  }
0x4d: {  	[tilespmem:s29+$0x0] =	vst.add.f32.msk $0xffff, v0  }
0x4e: {  	s30 =	sor.u32 $0x8180, s23;
	v2 =	vld [tilespmem:s23+$0x210]  }
0x4f: {  	[tilespmem:s30+$0x0] =	vst.add.f32.msk $0xffff, v1  }
0x50: {  	s0 =	sor.u32 s2, s0;
	s31 =	sor.u32 s22, s21;
	s4 =	sor.u32 $0x8210, s23;
	v1 =	vld [tilespmem:s23+$0x200]  }
0x51: {  	s24 =	sor.u32 $0x380, s0;
	s0 =	sor.u32 $0x380, s31;
	s1 =	sor.u32 $0x8200, s23;
	[tilespmem:s3+$0x8000] =	vst.add.f32.msk $0xffff, v3  }
0x52: {  	s26 =	simm.s32 $0x0;
	s25 =	sor.u32 $0x8280, s23;
	s3 =	simm.s32 $0x100;
	v0 =	vld [tilespmem:s24+$0x0]  }
.LBB2_2:
0x53: {  	s21 =	sadd.s32 $0x20, s21;
	[tilespmem:s4+$0x0] =	vst.add.f32.msk $0xffff, v2;
	s22 =	sadd.s32 $0x100, s22  }
0x54: {  	s26 =	sadd.s32 $0x1, s26;
	s4 =	sand.u32 $0x60, s21;
	s5 =	sand.u32 $0x1C00, s22;
	v2 =	vld [tilespmem:s23+$0x290]  }
0x55: {  	s6 =	sor.u32 s22, s21;
	s5 =	sor.u32 s4, s5;
	s4 =	sand.u32 $0x3, s26;
	[tilespmem:s1+$0x0] =	vst.add.f32.msk $0xffff, v1  }
0x56: {  	s7 =	sor.u32 $0x8000, s5;
	s8 =	sor.u32 $0x8080, s5;
	v1 =	vld [tilespmem:s5+$0x10];
	s1 =	sshll.u32 s4, $0x5  }
0x57: {  	s28 =	sor.u32 $0x8100, s5;
	s4 =	sor.u32 $0x8180, s5;
	v3 =	vld [tilespmem:s5+$0x0];
	s3 =	sadd.s32 s1, s3  }
0x58: {  	s1 =	sor.u32 $0x8200, s5;
	v4 =	vld [tilespmem:s23+$0x280];
	s23 =	sor.u32 $0x8290, s23;
	s29 =	sadd.s32 $0x10, s3  }
0x59: {  	s30 =	sor.u32 $0x8280, s5;
	s31 =	sor.u32 $0x300, s3;
	[tilespmem:s23+$0x0] =	vst.add.f32.msk $0xffff, v2;
	s9 =	sor.u32 $0x300, s29  }
0x5a: {  	p0 =	slt.u32 s21, $0x3E0;
	s6 =	sor.u32 $0x380, s6;
	s3 =	sor.u32 $0x8010, s5;
	v2 =	vld [tilespmem:s9+$0x0]  }
0x5b: {  	s23 =	smov.u32 s5;
	[tilespmem:s3+$0x0] =	vst.add.f32.msk $0xffff, v1;
	s3 =	smov.u32 s22  }
0x5c: {  	v1 =	vld [tilespmem:s23+$0x90]  }
0x5d: {  	[tilespmem:s7+$0x0] =	vst.add.f32.msk $0xffff, v3  }
0x5e: {  	v3 =	vld [tilespmem:s23+$0x80]  }
0x5f: {  	s5 =	sor.u32 $0x380, s29;
	[tilespmem:s9+$0x8000] =	vst.add.f32.msk $0xffff, v2  }
0x60: {  	s7 =	sor.u32 $0x8090, s23;
	v2 =	vld [tilespmem:s5+$0x0]  }
0x61: {  	[tilespmem:s7+$0x0] =	vst.add.f32.msk $0xffff, v1  }
0x62: {  	v1 =	vld [tilespmem:s23+$0x110]  }
0x63: {  	[tilespmem:s8+$0x0] =	vst.add.f32.msk $0xffff, v3  }
0x64: {  	v3 =	vld [tilespmem:s23+$0x100]  }
0x65: {  	[tilespmem:s5+$0x8000] =	vst.add.f32.msk $0xffff, v2  }
0x66: {  	s5 =	sor.u32 $0x8110, s23;
	[tilespmem:s25+$0x0] =	vst.add.f32.msk $0xffff, v4;
	s25 =	smov.u32 s30  }
0x67: {  	[tilespmem:s5+$0x0] =	vst.add.f32.msk $0xffff, v1  }
0x68: {  	v1 =	vld [tilespmem:s23+$0x190]  }
0x69: {  	[tilespmem:s28+$0x0] =	vst.add.f32.msk $0xffff, v3  }
0x6a: {  	v3 =	vld [tilespmem:s23+$0x180]  }
0x6b: {  	v4 =	vld [tilespmem:s31+$0x0]  }
0x6c: {  	s5 =	sor.u32 $0x8190, s23;
	[tilespmem:s24+$0x8000] =	vst.add.f32.msk $0xffff, v0;
	s24 =	smov.u32 s0;
	s0 =	smov.u32 s6  }
0x6d: {  	[tilespmem:s5+$0x0] =	vst.add.f32.msk $0xffff, v1  }
.Ltmp0:
0x6e: {  	v2 =	vld [tilespmem:s23+$0x210];
	(pc) =	sbr.rel @p0 .LBB2_2-.Ltmp0, $4  }
0x6f: {  	[tilespmem:s4+$0x0] =	vst.add.f32.msk $0xffff, v3  }
0x70: {  	v1 =	vld [tilespmem:s23+$0x200]  }
0x71: {  	[tilespmem:s31+$0x8000] =	vst.add.f32.msk $0xffff, v4  }
0x72: {  	s4 =	sor.u32 $0x8210, s23;
	v0 =	vld [tilespmem:s24+$0x0]  }
0x73: {  	[tilespmem:s4+$0x0] =	vst.add.f32.msk $0xffff, v2  }
0x74: {  	s26 =	sadd.s32 $0x1, s26;
	v2 =	vld [tilespmem:s23+$0x290]  }
0x75: {  	s4 =	sand.u32 $0x3, s26;
	[tilespmem:s1+$0x0] =	vst.add.f32.msk $0xffff, v1  }
0x76: {  	s5 =	sshll.u32 s4, $0x5;
	v1 =	vld [tilespmem:s23+$0x280]  }
0x77: {  	s1 =	sadd.s32 s5, s3  }
0x78: {  	s6 =	sor.u32 $0x8290, s23;
	s7 =	sadd.s32 $0x10, s1  }
0x79: {  	s8 =	sor.u32 $0x300, s7;
	[tilespmem:s6+$0x0] =	vst.add.f32.msk $0xffff, v2  }
0x7a: {  	v2 =	vld [tilespmem:s8+$0x0]  }
0x7b: {  	s1 =	sor.u32 $0x300, s1;
	[tilespmem:s25+$0x0] =	vst.add.f32.msk $0xffff, v1  }
0x7c: {  	v1 =	vld [tilespmem:s1+$0x0];
	_ =	sdelay $0x2  }
0x7d: {  	s9 =	sor.u32 $0x380, s7;
	[tilespmem:s8+$0x8000] =	vst.add.f32.msk $0xffff, v2  }
0x7e: {  	v2 =	vld [tilespmem:s9+$0x0]  }
0x7f: {  	[tilespmem:s1+$0x8000] =	vst.add.f32.msk $0xffff, v1  }
0x80: {  	v1 =	vld [tilespmem:s0+$0x0];
	_ =	sdelay $0x2  }
0x81: {  	[tilespmem:s24+$0x8000] =	vst.add.f32.msk $0xffff, v0  }
0x82: {  	[tilespmem:s9+$0x8000] =	vst.add.f32.msk $0xffff, v2  }
0x83: {  	[tilespmem:s0+$0x8000] =	vst.add.f32.msk $0xffff, v1  }
0x84: {  	s21 =	simm.s32 $0x0;
	s0 =	rddreg [dreg:$0x7]  }
0x85: {  	[hbm4b:s0+s21] =	stream.linear.scatter [tilespmem:s18], [sflag:$0x4], $0x2000, $0x38;
	[tilespmem:$0xC000] =	vst v63  }
0x86: {  	_ =	swait.ge [sflag:s10], $0x2000  }
0x87: {  	s5 =	simm.s32 $0x3;
	[sflag:s10] =	ssyncset.done $0x0  }
0x88: {  	s0 =	simm.s32 $0x0;
	[sflag:s10] =	ssyncadd.s32 $0xFFFFE000;
	s10 =	rddreg [dreg:$0x8]  }
0x89: {  	[tilespmem:s18], [sflag:$0x2] =	stream.linear.gather [hbm4b:s10+s21], $0x2000, $0x38;
	[tilespmem:$0xC000] =	vst v63  }
0x8a: {  	s3 =	sand.u32 $0x1C00, s21;
	s29 =	sand.u32 $0x60, s0;
	_ =	swait.ge [sflag:s5], $0x2000  }
0x8b: {  	s11 =	sor.u32 $0x2000, s3;
	s4 =	sor.u32 $0x10, s29;
	[sflag:s5] =	ssyncset.done $0x0  }
0x8c: {  	s12 =	sor.u32 s4, s11;
	[sflag:s5] =	ssyncadd.s32 $0xFFFFE000  }
0x8d: {  	v0 =	vld [tilespmem:s12+$0x0]  }
0x8e: {  	s1 =	sor.u32 s29, s11  }
0x8f: {  	v1 =	vld [tilespmem:s1+$0x0]  }
0x90: {  	s13 =	sor.u32 $0xA000, s3  }
0x91: {  	s6 =	sor.u32 $0x2080, s3;
	s7 =	sor.u32 s4, s13  }
0x92: {  	s14 =	sor.u32 s4, s6;
	[tilespmem:s7+$0x0] =	vst.add.f32.msk $0xffff, v0  }
0x93: {  	s1 =	sor.u32 s29, s13;
	v0 =	vld [tilespmem:s14+$0x0]  }
0x94: {  	s15 =	sor.u32 s29, s6;
	[tilespmem:s1+$0x0] =	vst.add.f32.msk $0xffff, v1  }
0x95: {  	v1 =	vld [tilespmem:s15+$0x0];
	_ =	sdelay $0x1  }
0x96: {  	s16 =	sor.u32 $0x2100, s3;
	s22 =	sor.u32 $0x80, s7  }
0x97: {  	s23 =	sor.u32 s4, s16;
	[tilespmem:s22+$0x0] =	vst.add.f32.msk $0xffff, v0  }
0x98: {  	s24 =	sor.u32 $0x80, s1;
	v0 =	vld [tilespmem:s23+$0x0]  }
0x99: {  	s5 =	sor.u32 s29, s16;
	[tilespmem:s24+$0x0] =	vst.add.f32.msk $0xffff, v1  }
0x9a: {  	v1 =	vld [tilespmem:s5+$0x0];
	_ =	sdelay $0x1  }
0x9b: {  	s25 =	sor.u32 $0x2180, s3;
	s26 =	sor.u32 $0x100, s7  }
0x9c: {  	s8 =	sor.u32 s4, s25;
	[tilespmem:s26+$0x0] =	vst.add.f32.msk $0xffff, v0  }
0x9d: {  	s9 =	sor.u32 $0x100, s1;
	v0 =	vld [tilespmem:s8+$0x0]  }
0x9e: {  	s5 =	sor.u32 s29, s25;
	[tilespmem:s9+$0x0] =	vst.add.f32.msk $0xffff, v1  }
0x9f: {  	v1 =	vld [tilespmem:s5+$0x0];
	_ =	sdelay $0x1  }
0xa0: {  	s10 =	sor.u32 $0x2200, s3;
	s11 =	sor.u32 $0x180, s7  }
0xa1: {  	s12 =	sor.u32 s4, s10;
	[tilespmem:s11+$0x0] =	vst.add.f32.msk $0xffff, v0  }
0xa2: {  	s13 =	sor.u32 $0x180, s1;
	s24 =	simm.s32 $0x20;
	s26 =	simm.s32 $0x100;
	v0 =	vld [tilespmem:s12+$0x0]  }
0xa3: {  	s22 =	sand.u32 $0x60, s24;
	s5 =	sor.u32 s29, s10;
	s25 =	sand.u32 $0x1C00, s26;
	[tilespmem:s13+$0x0] =	vst.add.f32.msk $0xffff, v1  }
0xa4: {  	s23 =	sor.u32 $0x10, s22;
	s8 =	sor.u32 $0x2000, s25;
	v1 =	vld [tilespmem:s5+$0x0]  }
0xa5: {  	s16 =	sor.u32 s23, s8  }
0xa6: {  	s14 =	sor.u32 $0x200, s7;
	v2 =	vld [tilespmem:s16+$0x0];
	s5 =	sor.u32 $0x2280, s3  }
0xa7: {  	s15 =	sor.u32 s4, s5;
	[tilespmem:s14+$0x0] =	vst.add.f32.msk $0xffff, v0  }
0xa8: {  	s9 =	sor.u32 $0x200, s1;
	v0 =	vld [tilespmem:s15+$0x0]  }
0xa9: {  	s8 =	sor.u32 s22, s8;
	[tilespmem:s9+$0x0] =	vst.add.f32.msk $0xffff, v1;
	s9 =	sor.u32 $0xA000, s25  }
0xaa: {  	s11 =	sor.u32 $0x2080, s25;
	v1 =	vld [tilespmem:s8+$0x0];
	s28 =	sor.u32 s23, s9  }
0xab: {  	s12 =	sor.u32 s23, s11;
	[tilespmem:s28+$0x0] =	vst.add.f32.msk $0xffff, v2  }
0xac: {  	s6 =	sor.u32 $0x2300, s3;
	s7 =	sor.u32 $0x280, s7;
	v2 =	vld [tilespmem:s12+$0x0]  }
0xad: {  	s10 =	sor.u32 s4, s6;
	[tilespmem:s7+$0x0] =	vst.add.f32.msk $0xffff, v0  }
0xae: {  	s30 =	sand.u32 $0x3, s21;
	s8 =	sor.u32 s22, s9;
	v0 =	vld [tilespmem:s10+$0x0]  }
0xaf: {  	s30 =	sshll.u32 s30, $0x5;
	s9 =	sor.u32 s22, s11;
	[tilespmem:s8+$0x0] =	vst.add.f32.msk $0xffff, v1  }
0xb0: {  	s14 =	sor.u32 $0x2100, s25;
	s15 =	sor.u32 $0x80, s28;
	s7 =	sadd.s32 $0x0, s30;
	v1 =	vld [tilespmem:s9+$0x0]  }
0xb1: {  	s16 =	sor.u32 s23, s14;
	s30 =	sadd.s32 $0x10, s7;
	[tilespmem:s15+$0x0] =	vst.add.f32.msk $0xffff, v2  }
0xb2: {  	s3 =	sor.u32 $0x2380, s3;
	s13 =	sor.u32 $0x300, s30;
	v2 =	vld [tilespmem:s16+$0x0]  }
0xb3: {  	s4 =	sor.u32 s4, s3;
	[tilespmem:s13+$0xA000] =	vst.add.f32.msk $0xffff, v0  }
0xb4: {  	s10 =	sor.u32 $0x80, s8;
	v0 =	vld [tilespmem:s4+$0x0]  }
0xb5: {  	s11 =	sor.u32 s22, s14;
	[tilespmem:s10+$0x0] =	vst.add.f32.msk $0xffff, v1  }
0xb6: {  	s12 =	sor.u32 s29, s5;
	v1 =	vld [tilespmem:s11+$0x0]  }
0xb7: {  	v3 =	vld [tilespmem:s12+$0x0];
	s15 =	sor.u32 $0x100, s28  }
0xb8: {  	s14 =	sor.u32 $0x2180, s25;
	s13 =	sor.u32 $0x380, s30;
	[tilespmem:s15+$0x0] =	vst.add.f32.msk $0xffff, v2  }
0xb9: {  	s16 =	sor.u32 s23, s14;
	[tilespmem:s13+$0xA000] =	vst.add.f32.msk $0xffff, v0  }
0xba: {  	s9 =	sor.u32 $0x100, s8;
	v0 =	vld [tilespmem:s16+$0x0]  }
0xbb: {  	s4 =	sor.u32 s22, s14;
	[tilespmem:s9+$0x0] =	vst.add.f32.msk $0xffff, v1  }
0xbc: {  	s1 =	sor.u32 $0x280, s1;
	v2 =	vld [tilespmem:s4+$0x0]  }
0xbd: {  	[tilespmem:s1+$0x0] =	vst.add.f32.msk $0xffff, v3;
	s10 =	sor.u32 s29, s6  }
0xbe: {  	s12 =	sor.u32 $0x180, s28;
	v3 =	vld [tilespmem:s10+$0x0];
	s11 =	sor.u32 $0x2200, s25  }
0xbf: {  	s13 =	sor.u32 s23, s11;
	[tilespmem:s12+$0x0] =	vst.add.f32.msk $0xffff, v0  }
0xc0: {  	s0 =	sor.u32 s21, s0;
	s14 =	sor.u32 $0x180, s8;
	v1 =	vld [tilespmem:s13+$0x0]  }
0xc1: {  	s31 =	sor.u32 $0x280, s8;
	s1 =	sor.u32 s22, s11;
	s15 =	sor.u32 s26, s24;
	[tilespmem:s14+$0x0] =	vst.add.f32.msk $0xffff, v2  }
0xc2: {  	s30 =	sor.u32 $0x380, s15;
	s4 =	sor.u32 s29, s3;
	s16 =	sor.u32 $0x300, s7;
	v0 =	vld [tilespmem:s1+$0x0]  }
0xc3: {  	s29 =	sor.u32 $0x380, s0;
	s0 =	simm.s32 $0x200;
	[tilespmem:s16+$0xA000] =	vst.add.f32.msk $0xffff, v3;
	s1 =	sor.u32 $0x200, s8  }
.LBB2_4:
0xc4: {  	s24 =	sadd.s32 $0x20, s24;
	s3 =	sor.u32 $0x2280, s25;
	s7 =	sor.u32 $0x200, s28;
	v2 =	vld [tilespmem:s4+$0x0]  }
0xc5: {  	s6 =	sand.u32 $0x1C00, s0;
	s5 =	sand.u32 $0x60, s24;
	[tilespmem:s7+$0x0] =	vst.add.f32.msk $0xffff, v1;
	s4 =	sor.u32 s23, s3  }
0xc6: {  	s8 =	sor.u32 $0x2000, s6;
	s9 =	sor.u32 s22, s3;
	s7 =	sor.u32 $0x10, s5;
	v1 =	vld [tilespmem:s4+$0x0]  }
0xc7: {  	s3 =	sor.u32 s0, s24;
	s4 =	sor.u32 s5, s8;
	s8 =	sor.u32 s7, s8;
	[tilespmem:s1+$0x0] =	vst.add.f32.msk $0xffff, v0  }
0xc8: {  	p0 =	slt.u32 s24, $0x3E0;
	s3 =	sor.u32 $0x380, s3;
	v0 =	vld [tilespmem:s8+$0x0]  }
0xc9: {  	v3 =	vld [tilespmem:s4+$0x0]  }
0xca: {  	s1 =	sor.u32 $0x280, s28;
	s4 =	sor.u32 $0x2300, s25;
	v4 =	vld [tilespmem:s9+$0x0]  }
0xcb: {  	s21 =	sadd.s32 $0x1, s21;
	s8 =	sor.u32 $0xA000, s6;
	[tilespmem:s1+$0x0] =	vst.add.f32.msk $0xffff, v1;
	s1 =	sor.u32 s23, s4  }
0xcc: {  	s10 =	sand.u32 $0x3, s21;
	s28 =	sor.u32 s7, s8;
	s9 =	sor.u32 $0x2080, s6;
	v1 =	vld [tilespmem:s1+$0x0]  }
0xcd: {  	s11 =	sor.u32 s5, s8;
	s8 =	sshll.u32 s10, $0x5;
	s1 =	sor.u32 s7, s9;
	[tilespmem:s28+$0x0] =	vst.add.f32.msk $0xffff, v0  }
0xce: {  	s10 =	sor.u32 $0x80, s11;
	s26 =	sadd.s32 s8, s26;
	s9 =	sor.u32 s5, s9;
	v0 =	vld [tilespmem:s1+$0x0]  }
0xcf: {  	s12 =	sor.u32 $0x100, s11;
	s8 =	sor.u32 $0x180, s11;
	s16 =	sadd.s32 $0x10, s26;
	[tilespmem:s11+$0x0] =	vst.add.f32.msk $0xffff, v3  }
0xd0: {  	s1 =	sor.u32 $0x200, s11;
	v3 =	vld [tilespmem:s9+$0x0];
	s9 =	sor.u32 $0x2380, s25;
	s25 =	sor.u32 $0x300, s16  }
0xd1: {  	s13 =	sor.u32 s22, s4;
	s11 =	sor.u32 $0x280, s11;
	[tilespmem:s25+$0xA000] =	vst.add.f32.msk $0xffff, v1;
	s4 =	sor.u32 s23, s9  }
0xd2: {  	s14 =	sor.u32 $0x300, s26;
	s23 =	sor.u32 $0x2100, s6;
	s25 =	sor.u32 $0x80, s28;
	v1 =	vld [tilespmem:s4+$0x0]  }
0xd3: {  	s15 =	sor.u32 s5, s23;
	s23 =	sor.u32 s7, s23;
	s4 =	sor.u32 s22, s9;
	[tilespmem:s25+$0x0] =	vst.add.f32.msk $0xffff, v0  }
0xd4: {  	s22 =	smov.u32 s5;
	s25 =	smov.u32 s6;
	v0 =	vld [tilespmem:s23+$0x0];
	s23 =	smov.u32 s7  }
0xd5: {  	s26 =	smov.u32 s0;
	[tilespmem:s10+$0x0] =	vst.add.f32.msk $0xffff, v3  }
0xd6: {  	s5 =	sor.u32 $0x380, s16;
	v3 =	vld [tilespmem:s15+$0x0]  }
0xd7: {  	[tilespmem:s5+$0xA000] =	vst.add.f32.msk $0xffff, v1  }
0xd8: {  	s6 =	sor.u32 $0x100, s28;
	s5 =	sor.u32 $0x2180, s25;
	[tilespmem:s31+$0x0] =	vst.add.f32.msk $0xffff, v4;
	s31 =	smov.u32 s11  }
0xd9: {  	s7 =	sor.u32 s22, s5;
	s5 =	sor.u32 s23, s5;
	[tilespmem:s6+$0x0] =	vst.add.f32.msk $0xffff, v0  }
0xda: {  	v0 =	vld [tilespmem:s5+$0x0]  }
0xdb: {  	[tilespmem:s12+$0x0] =	vst.add.f32.msk $0xffff, v3  }
0xdc: {  	v3 =	vld [tilespmem:s7+$0x0]  }
0xdd: {  	v4 =	vld [tilespmem:s13+$0x0]  }
0xde: {  	s6 =	sor.u32 $0x180, s28;
	s5 =	sor.u32 $0x2200, s25;
	[tilespmem:s29+$0xA000] =	vst.add.f32.msk $0xffff, v2;
	s29 =	smov.u32 s30  }
.Ltmp1:
0xdf: {  	s7 =	sor.u32 s22, s5;
	s5 =	sor.u32 s23, s5;
	[tilespmem:s6+$0x0] =	vst.add.f32.msk $0xffff, v0;
	(pc) =	sbr.rel @p0 .LBB2_4-.Ltmp1, $4  }
0xe0: {  	s30 =	smov.u32 s3;
	v1 =	vld [tilespmem:s5+$0x0]  }
0xe1: {  	[tilespmem:s8+$0x0] =	vst.add.f32.msk $0xffff, v3  }
0xe2: {  	v0 =	vld [tilespmem:s7+$0x0]  }
0xe3: {  	s0 =	sadd.s32 $0x100, s0;
	[tilespmem:s14+$0xA000] =	vst.add.f32.msk $0xffff, v4  }
0xe4: {  	s0 =	sor.u32 $0x2280, s25;
	s3 =	sor.u32 $0x200, s28  }
0xe5: {  	[tilespmem:s3+$0x0] =	vst.add.f32.msk $0xffff, v1;
	s16 =	sor.u32 s23, s0  }
0xe6: {  	v1 =	vld [tilespmem:s16+$0x0]  }
0xe7: {  	s0 =	sor.u32 s22, s0;
	[tilespmem:s1+$0x0] =	vst.add.f32.msk $0xffff, v0  }
0xe8: {  	v0 =	vld [tilespmem:s0+$0x0];
	_ =	sdelay $0x1  }
0xe9: {  	s24 =	sor.u32 $0x2300, s25;
	s3 =	sor.u32 $0x280, s28  }
0xea: {  	s6 =	sadd.s32 $0x1, s21;
	s5 =	sor.u32 s23, s24;
	[tilespmem:s3+$0x0] =	vst.add.f32.msk $0xffff, v1  }
0xeb: {  	s3 =	sand.u32 $0x3, s6;
	v1 =	vld [tilespmem:s5+$0x0]  }
0xec: {  	s0 =	sor.u32 s22, s24;
	s7 =	sshll.u32 s3, $0x5;
	[tilespmem:s31+$0x0] =	vst.add.f32.msk $0xffff, v0  }
0xed: {  	s1 =	sadd.s32 s7, s26;
	v0 =	vld [tilespmem:s0+$0x0]  }
0xee: {  	s8 =	sadd.s32 $0x10, s1  }
0xef: {  	v2 =	vld [tilespmem:s4+$0x0];
	s9 =	sor.u32 $0x2380, s25;
	s10 =	sor.u32 $0x300, s8  }
0xf0: {  	s11 =	sor.u32 s23, s9;
	[tilespmem:s10+$0xA000] =	vst.add.f32.msk $0xffff, v1  }
0xf1: {  	s1 =	sor.u32 $0x300, s1;
	v1 =	vld [tilespmem:s11+$0x0]  }
0xf2: {  	s3 =	sor.u32 s22, s9;
	[tilespmem:s1+$0xA000] =	vst.add.f32.msk $0xffff, v0  }
0xf3: {  	v0 =	vld [tilespmem:s3+$0x0];
	_ =	sdelay $0x2  }
0xf4: {  	[tilespmem:s29+$0xA000] =	vst.add.f32.msk $0xffff, v2;
	s0 =	sor.u32 $0x380, s8  }
0xf5: {  	[tilespmem:s0+$0xA000] =	vst.add.f32.msk $0xffff, v1  }
0xf6: {  	[tilespmem:s30+$0xA000] =	vst.add.f32.msk $0xffff, v0  }
0xf7: {  	s21 =	simm.s32 $0x0;
	s0 =	rddreg [dreg:$0x9]  }
0xf8: {  	[hbm4b:s0+s21] =	stream.linear.scatter [tilespmem:s17], [sflag:$0x5], $0x2000, $0x38;
	[tilespmem:$0xC000] =	vst v63  }
0xf9: {  	_ =	swait.ge [sflag:s19], $0x2000  }
0xfa: {  	s5 =	simm.s32 $0x2;
	[sflag:s19] =	ssyncset.done $0x0  }
0xfb: {  	s0 =	simm.s32 $0x0;
	s12 =	rddreg [dreg:$0xa];
	[sflag:s19] =	ssyncadd.s32 $0xFFFFE000  }
0xfc: {  	[tilespmem:s17], [sflag:$0x3] =	stream.linear.gather [hbm4b:s12+s21], $0x2000, $0x38;
	[tilespmem:$0xC000] =	vst v63  }
0xfd: {  	s3 =	sand.u32 $0x1C00, s21;
	s29 =	sand.u32 $0x60, s0;
	_ =	swait.ge [sflag:s5], $0x2000  }
0xfe: {  	s13 =	sor.u32 $0x4000, s3;
	s4 =	sor.u32 $0x10, s29;
	[sflag:s5] =	ssyncset.done $0x0  }
0xff: {  	s14 =	sor.u32 s4, s13;
	[sflag:s5] =	ssyncadd.s32 $0xFFFFE000  }
0x100: {  	v0 =	vld [tilespmem:s14+$0x0]  }
0x101: {  	s1 =	sor.u32 s29, s13  }
0x102: {  	v1 =	vld [tilespmem:s1+$0x0]  }
0x103: {  	s15 =	sor.u32 $0x8000, s3  }
0x104: {  	s6 =	sor.u32 $0x4080, s3;
	s7 =	sor.u32 s4, s15  }
0x105: {  	s16 =	sor.u32 s4, s6;
	[tilespmem:s7+$0x0] =	vst.add.f32.msk $0xffff, v0  }
0x106: {  	s1 =	sor.u32 s29, s15;
	v0 =	vld [tilespmem:s16+$0x0]  }
0x107: {  	s17 =	sor.u32 s29, s6;
	[tilespmem:s1+$0x0] =	vst.add.f32.msk $0xffff, v1  }
0x108: {  	v1 =	vld [tilespmem:s17+$0x0];
	_ =	sdelay $0x1  }
0x109: {  	s22 =	sor.u32 $0x4100, s3;
	s23 =	sor.u32 $0x80, s7  }
0x10a: {  	s24 =	sor.u32 s4, s22;
	[tilespmem:s23+$0x0] =	vst.add.f32.msk $0xffff, v0  }
0x10b: {  	s25 =	sor.u32 $0x80, s1;
	v0 =	vld [tilespmem:s24+$0x0]  }
0x10c: {  	s5 =	sor.u32 s29, s22;
	[tilespmem:s25+$0x0] =	vst.add.f32.msk $0xffff, v1  }
0x10d: {  	v1 =	vld [tilespmem:s5+$0x0];
	_ =	sdelay $0x1  }
0x10e: {  	s26 =	sor.u32 $0x4180, s3;
	s8 =	sor.u32 $0x100, s7  }
0x10f: {  	s9 =	sor.u32 s4, s26;
	[tilespmem:s8+$0x0] =	vst.add.f32.msk $0xffff, v0  }
0x110: {  	s10 =	sor.u32 $0x100, s1;
	v0 =	vld [tilespmem:s9+$0x0]  }
0x111: {  	s5 =	sor.u32 s29, s26;
	[tilespmem:s10+$0x0] =	vst.add.f32.msk $0xffff, v1  }
0x112: {  	v1 =	vld [tilespmem:s5+$0x0];
	_ =	sdelay $0x1  }
0x113: {  	s11 =	sor.u32 $0x4200, s3;
	s12 =	sor.u32 $0x180, s7  }
0x114: {  	s13 =	sor.u32 s4, s11;
	[tilespmem:s12+$0x0] =	vst.add.f32.msk $0xffff, v0  }
0x115: {  	s14 =	sor.u32 $0x180, s1;
	s26 =	simm.s32 $0x100;
	s24 =	simm.s32 $0x20;
	v0 =	vld [tilespmem:s13+$0x0]  }
0x116: {  	s22 =	sand.u32 $0x60, s24;
	s25 =	sand.u32 $0x1C00, s26;
	s5 =	sor.u32 s29, s11;
	[tilespmem:s14+$0x0] =	vst.add.f32.msk $0xffff, v1  }
0x117: {  	s23 =	sor.u32 $0x10, s22;
	s8 =	sor.u32 $0x4000, s25;
	v1 =	vld [tilespmem:s5+$0x0]  }
0x118: {  	s17 =	sor.u32 s23, s8  }
0x119: {  	s15 =	sor.u32 $0x200, s7;
	v2 =	vld [tilespmem:s17+$0x0];
	s5 =	sor.u32 $0x4280, s3  }
0x11a: {  	s16 =	sor.u32 s4, s5;
	[tilespmem:s15+$0x0] =	vst.add.f32.msk $0xffff, v0  }
0x11b: {  	s9 =	sor.u32 $0x200, s1;
	v0 =	vld [tilespmem:s16+$0x0]  }
0x11c: {  	s10 =	sor.u32 s22, s8;
	s11 =	sor.u32 $0x8000, s25;
	[tilespmem:s9+$0x0] =	vst.add.f32.msk $0xffff, v1  }
0x11d: {  	s28 =	sor.u32 s23, s11;
	s13 =	sor.u32 $0x4080, s25;
	v1 =	vld [tilespmem:s10+$0x0]  }
0x11e: {  	[tilespmem:s28+$0x0] =	vst.add.f32.msk $0xffff, v2;
	s14 =	sor.u32 s23, s13  }
0x11f: {  	s6 =	sor.u32 $0x4300, s3;
	s7 =	sor.u32 $0x280, s7;
	v2 =	vld [tilespmem:s14+$0x0]  }
0x120: {  	s12 =	sor.u32 s4, s6;
	[tilespmem:s7+$0x0] =	vst.add.f32.msk $0xffff, v0  }
0x121: {  	s8 =	sor.u32 s22, s11;
	s10 =	sand.u32 $0x3, s21;
	v0 =	vld [tilespmem:s12+$0x0]  }
0x122: {  	s9 =	sor.u32 s22, s13;
	s10 =	sshll.u32 s10, $0x5;
	[tilespmem:s8+$0x0] =	vst.add.f32.msk $0xffff, v1  }
0x123: {  	s17 =	sor.u32 $0x80, s28;
	s16 =	sor.u32 $0x4100, s25;
	s7 =	sadd.s32 $0x0, s10;
	v1 =	vld [tilespmem:s9+$0x0]  }
0x124: {  	[tilespmem:s17+$0x0] =	vst.add.f32.msk $0xffff, v2;
	s11 =	sor.u32 s23, s16;
	s10 =	sadd.s32 $0x10, s7  }
0x125: {  	s3 =	sor.u32 $0x4380, s3;
	v2 =	vld [tilespmem:s11+$0x0];
	s15 =	sor.u32 $0x300, s10  }
0x126: {  	s4 =	sor.u32 s4, s3;
	[tilespmem:s15+$0x8000] =	vst.add.f32.msk $0xffff, v0  }
0x127: {  	s12 =	sor.u32 $0x80, s8;
	v0 =	vld [tilespmem:s4+$0x0]  }
0x128: {  	s13 =	sor.u32 s22, s16;
	[tilespmem:s12+$0x0] =	vst.add.f32.msk $0xffff, v1  }
0x129: {  	s14 =	sor.u32 s29, s5;
	v1 =	vld [tilespmem:s13+$0x0]  }
0x12a: {  	v3 =	vld [tilespmem:s14+$0x0];
	s17 =	sor.u32 $0x100, s28  }
0x12b: {  	s16 =	sor.u32 $0x4180, s25;
	[tilespmem:s17+$0x0] =	vst.add.f32.msk $0xffff, v2;
	s15 =	sor.u32 $0x380, s10  }
0x12c: {  	s9 =	sor.u32 s23, s16;
	[tilespmem:s15+$0x8000] =	vst.add.f32.msk $0xffff, v0  }
0x12d: {  	s10 =	sor.u32 $0x100, s8;
	v0 =	vld [tilespmem:s9+$0x0]  }
0x12e: {  	s4 =	sor.u32 s22, s16;
	[tilespmem:s10+$0x0] =	vst.add.f32.msk $0xffff, v1  }
0x12f: {  	s1 =	sor.u32 $0x280, s1;
	v2 =	vld [tilespmem:s4+$0x0]  }
0x130: {  	s11 =	sor.u32 s29, s6;
	[tilespmem:s1+$0x0] =	vst.add.f32.msk $0xffff, v3  }
0x131: {  	v3 =	vld [tilespmem:s11+$0x0];
	s12 =	sor.u32 $0x4200, s25;
	s13 =	sor.u32 $0x180, s28  }
0x132: {  	s14 =	sor.u32 s23, s12;
	[tilespmem:s13+$0x0] =	vst.add.f32.msk $0xffff, v0  }
0x133: {  	s0 =	sor.u32 s21, s0;
	s15 =	sor.u32 $0x180, s8;
	v1 =	vld [tilespmem:s14+$0x0]  }
0x134: {  	s31 =	sor.u32 $0x280, s8;
	s1 =	sor.u32 s22, s12;
	s16 =	sor.u32 s26, s24;
	[tilespmem:s15+$0x0] =	vst.add.f32.msk $0xffff, v2  }
0x135: {  	s17 =	sor.u32 $0x300, s7;
	s30 =	sor.u32 $0x380, s16;
	s4 =	sor.u32 s29, s3;
	v0 =	vld [tilespmem:s1+$0x0]  }
0x136: {  	[tilespmem:s17+$0x8000] =	vst.add.f32.msk $0xffff, v3;
	s29 =	sor.u32 $0x380, s0;
	s0 =	simm.s32 $0x200;
	s1 =	sor.u32 $0x200, s8  }
.LBB2_6:
0x137: {  	s24 =	sadd.s32 $0x20, s24;
	s3 =	sor.u32 $0x4280, s25;
	s7 =	sor.u32 $0x200, s28;
	v2 =	vld [tilespmem:s4+$0x0]  }
0x138: {  	s6 =	sand.u32 $0x1C00, s0;
	s5 =	sand.u32 $0x60, s24;
	[tilespmem:s7+$0x0] =	vst.add.f32.msk $0xffff, v1;
	s4 =	sor.u32 s23, s3  }
0x139: {  	s8 =	sor.u32 $0x4000, s6;
	s9 =	sor.u32 s22, s3;
	s7 =	sor.u32 $0x10, s5;
	v1 =	vld [tilespmem:s4+$0x0]  }
0x13a: {  	s3 =	sor.u32 s0, s24;
	s4 =	sor.u32 s5, s8;
	s8 =	sor.u32 s7, s8;
	[tilespmem:s1+$0x0] =	vst.add.f32.msk $0xffff, v0  }
0x13b: {  	p0 =	slt.u32 s24, $0x3E0;
	s3 =	sor.u32 $0x380, s3;
	v0 =	vld [tilespmem:s8+$0x0]  }
0x13c: {  	v3 =	vld [tilespmem:s4+$0x0]  }
0x13d: {  	s1 =	sor.u32 $0x280, s28;
	s4 =	sor.u32 $0x4300, s25;
	v4 =	vld [tilespmem:s9+$0x0]  }
0x13e: {  	s21 =	sadd.s32 $0x1, s21;
	s8 =	sor.u32 $0x8000, s6;
	[tilespmem:s1+$0x0] =	vst.add.f32.msk $0xffff, v1;
	s1 =	sor.u32 s23, s4  }
0x13f: {  	s10 =	sand.u32 $0x3, s21;
	s28 =	sor.u32 s7, s8;
	s9 =	sor.u32 $0x4080, s6;
	v1 =	vld [tilespmem:s1+$0x0]  }
0x140: {  	s11 =	sor.u32 s5, s8;
	s8 =	sshll.u32 s10, $0x5;
	s1 =	sor.u32 s7, s9;
	[tilespmem:s28+$0x0] =	vst.add.f32.msk $0xffff, v0  }
0x141: {  	s10 =	sor.u32 $0x80, s11;
	s12 =	sadd.s32 s8, s26;
	s9 =	sor.u32 s5, s9;
	v0 =	vld [tilespmem:s1+$0x0]  }
0x142: {  	s13 =	sor.u32 $0x100, s11;
	s8 =	sor.u32 $0x180, s11;
	s14 =	sadd.s32 $0x10, s12;
	[tilespmem:s11+$0x0] =	vst.add.f32.msk $0xffff, v3  }
0x143: {  	s15 =	sor.u32 $0x300, s14;
	s1 =	sor.u32 $0x200, s11;
	v3 =	vld [tilespmem:s9+$0x0];
	s9 =	sor.u32 $0x4380, s25  }
0x144: {  	s16 =	sor.u32 s22, s4;
	s11 =	sor.u32 $0x280, s11;
	[tilespmem:s15+$0x8000] =	vst.add.f32.msk $0xffff, v1;
	s4 =	sor.u32 s23, s9  }
0x145: {  	s12 =	sor.u32 $0x300, s12;
	s15 =	sor.u32 $0x4100, s6;
	s23 =	sor.u32 $0x80, s28;
	v1 =	vld [tilespmem:s4+$0x0]  }
0x146: {  	s17 =	sor.u32 s5, s15;
	s15 =	sor.u32 s7, s15;
	s4 =	sor.u32 s22, s9;
	[tilespmem:s23+$0x0] =	vst.add.f32.msk $0xffff, v0  }
0x147: {  	s25 =	smov.u32 s6;
	s22 =	smov.u32 s5;
	s23 =	smov.u32 s7;
	v0 =	vld [tilespmem:s15+$0x0]  }
0x148: {  	s26 =	smov.u32 s0;
	[tilespmem:s10+$0x0] =	vst.add.f32.msk $0xffff, v3  }
0x149: {  	s5 =	sor.u32 $0x380, s14;
	v3 =	vld [tilespmem:s17+$0x0]  }
0x14a: {  	[tilespmem:s5+$0x8000] =	vst.add.f32.msk $0xffff, v1  }
0x14b: {  	s6 =	sor.u32 $0x100, s28;
	s5 =	sor.u32 $0x4180, s25;
	[tilespmem:s31+$0x0] =	vst.add.f32.msk $0xffff, v4;
	s31 =	smov.u32 s11  }
0x14c: {  	s7 =	sor.u32 s22, s5;
	s5 =	sor.u32 s23, s5;
	[tilespmem:s6+$0x0] =	vst.add.f32.msk $0xffff, v0  }
0x14d: {  	v0 =	vld [tilespmem:s5+$0x0]  }
0x14e: {  	[tilespmem:s13+$0x0] =	vst.add.f32.msk $0xffff, v3  }
0x14f: {  	v3 =	vld [tilespmem:s7+$0x0]  }
0x150: {  	v4 =	vld [tilespmem:s16+$0x0]  }
0x151: {  	s6 =	sor.u32 $0x180, s28;
	s5 =	sor.u32 $0x4200, s25;
	[tilespmem:s29+$0x8000] =	vst.add.f32.msk $0xffff, v2;
	s29 =	smov.u32 s30  }
.Ltmp2:
0x152: {  	s7 =	sor.u32 s22, s5;
	s5 =	sor.u32 s23, s5;
	[tilespmem:s6+$0x0] =	vst.add.f32.msk $0xffff, v0;
	(pc) =	sbr.rel @p0 .LBB2_6-.Ltmp2, $4  }
0x153: {  	s30 =	smov.u32 s3;
	v1 =	vld [tilespmem:s5+$0x0]  }
0x154: {  	[tilespmem:s8+$0x0] =	vst.add.f32.msk $0xffff, v3  }
0x155: {  	v0 =	vld [tilespmem:s7+$0x0]  }
0x156: {  	s0 =	sadd.s32 $0x100, s0;
	[tilespmem:s12+$0x8000] =	vst.add.f32.msk $0xffff, v4  }
0x157: {  	s0 =	sor.u32 $0x4280, s25;
	s3 =	sor.u32 $0x200, s28  }
0x158: {  	[tilespmem:s3+$0x0] =	vst.add.f32.msk $0xffff, v1;
	s14 =	sor.u32 s23, s0  }
0x159: {  	v1 =	vld [tilespmem:s14+$0x0]  }
0x15a: {  	s0 =	sor.u32 s22, s0;
	[tilespmem:s1+$0x0] =	vst.add.f32.msk $0xffff, v0  }
0x15b: {  	v0 =	vld [tilespmem:s0+$0x0];
	_ =	sdelay $0x1  }
0x15c: {  	s15 =	sor.u32 $0x4300, s25;
	s16 =	sor.u32 $0x280, s28  }
0x15d: {  	s21 =	sadd.s32 $0x1, s21;
	s17 =	sor.u32 s23, s15;
	[tilespmem:s16+$0x0] =	vst.add.f32.msk $0xffff, v1  }
0x15e: {  	s3 =	sand.u32 $0x3, s21;
	v1 =	vld [tilespmem:s17+$0x0]  }
0x15f: {  	s24 =	sshll.u32 s3, $0x5;
	s0 =	sor.u32 s22, s15;
	[tilespmem:s31+$0x0] =	vst.add.f32.msk $0xffff, v0  }
0x160: {  	s1 =	sadd.s32 s24, s26;
	v0 =	vld [tilespmem:s0+$0x0]  }
0x161: {  	s26 =	sadd.s32 $0x10, s1  }
0x162: {  	v2 =	vld [tilespmem:s4+$0x0];
	s5 =	sor.u32 $0x4380, s25;
	s6 =	sor.u32 $0x300, s26  }
0x163: {  	s7 =	sor.u32 s23, s5;
	[tilespmem:s6+$0x8000] =	vst.add.f32.msk $0xffff, v1  }
0x164: {  	s1 =	sor.u32 $0x300, s1;
	v1 =	vld [tilespmem:s7+$0x0]  }
0x165: {  	s3 =	sor.u32 s22, s5;
	[tilespmem:s1+$0x8000] =	vst.add.f32.msk $0xffff, v0  }
0x166: {  	v0 =	vld [tilespmem:s3+$0x0];
	_ =	sdelay $0x2  }
0x167: {  	[tilespmem:s29+$0x8000] =	vst.add.f32.msk $0xffff, v2;
	s0 =	sor.u32 $0x380, s26  }
0x168: {  	[tilespmem:s0+$0x8000] =	vst.add.f32.msk $0xffff, v1  }
0x169: {  	s21 =	simm.s32 $0x0;
	[tilespmem:s30+$0x8000] =	vst.add.f32.msk $0xffff, v0  }
0x16a: {  	s5 =	simm.s32 $0x3;
	s29 =	simm.s32 $0x0;
	s0 =	rddreg [dreg:$0xb]  }
0x16b: {  	[hbm4b:s0+s21] =	stream.linear.scatter [tilespmem:s18], [sflag:$0x4], $0x2000, $0x38;
	[tilespmem:$0xC000] =	vst v63  }
0x16c: {  	s3 =	sand.u32 $0x1C00, s21;
	s0 =	sand.u32 $0x60, s29;
	_ =	swait.ge [sflag:s5], $0x2000  }
0x16d: {  	s8 =	sor.u32 $0x6000, s3;
	s4 =	sor.u32 $0x10, s0;
	[sflag:s5] =	ssyncset.done $0x0  }
0x16e: {  	s9 =	sor.u32 s4, s8;
	[sflag:s5] =	ssyncadd.s32 $0xFFFFE000  }
0x16f: {  	v0 =	vld [tilespmem:s9+$0x0]  }
0x170: {  	s1 =	sor.u32 s0, s8  }
0x171: {  	v1 =	vld [tilespmem:s1+$0x0]  }
0x172: {  	s10 =	sor.u32 $0xA000, s3  }
0x173: {  	s6 =	sor.u32 $0x6080, s3;
	s7 =	sor.u32 s4, s10  }
0x174: {  	s11 =	sor.u32 s4, s6;
	[tilespmem:s7+$0x0] =	vst.add.f32.msk $0xffff, v0  }
0x175: {  	s1 =	sor.u32 s0, s10;
	v0 =	vld [tilespmem:s11+$0x0]  }
0x176: {  	s12 =	sor.u32 s0, s6;
	[tilespmem:s1+$0x0] =	vst.add.f32.msk $0xffff, v1  }
0x177: {  	v1 =	vld [tilespmem:s12+$0x0];
	_ =	sdelay $0x1  }
0x178: {  	s13 =	sor.u32 $0x6100, s3;
	s14 =	sor.u32 $0x80, s7  }
0x179: {  	s15 =	sor.u32 s4, s13;
	[tilespmem:s14+$0x0] =	vst.add.f32.msk $0xffff, v0  }
0x17a: {  	s16 =	sor.u32 $0x80, s1;
	v0 =	vld [tilespmem:s15+$0x0]  }
0x17b: {  	s5 =	sor.u32 s0, s13;
	[tilespmem:s16+$0x0] =	vst.add.f32.msk $0xffff, v1  }
0x17c: {  	v1 =	vld [tilespmem:s5+$0x0];
	_ =	sdelay $0x1  }
0x17d: {  	s17 =	sor.u32 $0x6180, s3;
	s18 =	sor.u32 $0x100, s7  }
0x17e: {  	s22 =	sor.u32 s4, s17;
	[tilespmem:s18+$0x0] =	vst.add.f32.msk $0xffff, v0  }
0x17f: {  	s23 =	sor.u32 $0x100, s1;
	v0 =	vld [tilespmem:s22+$0x0]  }
0x180: {  	s5 =	sor.u32 s0, s17;
	[tilespmem:s23+$0x0] =	vst.add.f32.msk $0xffff, v1  }
0x181: {  	v1 =	vld [tilespmem:s5+$0x0];
	_ =	sdelay $0x1  }
0x182: {  	s24 =	sor.u32 $0x6200, s3;
	s25 =	sor.u32 $0x180, s7  }
0x183: {  	s26 =	sor.u32 s4, s24;
	s8 =	sor.u32 $0x180, s1;
	[tilespmem:s25+$0x0] =	vst.add.f32.msk $0xffff, v0  }
0x184: {  	s5 =	sor.u32 s0, s24;
	s24 =	simm.s32 $0x20;
	v0 =	vld [tilespmem:s26+$0x0];
	s26 =	simm.s32 $0x100  }
0x185: {  	s22 =	sand.u32 $0x60, s24;
	[tilespmem:s8+$0x0] =	vst.add.f32.msk $0xffff, v1;
	s25 =	sand.u32 $0x1C00, s26  }
0x186: {  	s23 =	sor.u32 $0x10, s22;
	v1 =	vld [tilespmem:s5+$0x0];
	s8 =	sor.u32 $0x6000, s25  }
0x187: {  	s11 =	sor.u32 s23, s8  }
0x188: {  	s9 =	sor.u32 $0x200, s7;
	s5 =	sor.u32 $0x6280, s3;
	v2 =	vld [tilespmem:s11+$0x0]  }
0x189: {  	s10 =	sor.u32 s4, s5;
	[tilespmem:s9+$0x0] =	vst.add.f32.msk $0xffff, v0  }
0x18a: {  	s9 =	sor.u32 $0x200, s1;
	v0 =	vld [tilespmem:s10+$0x0]  }
0x18b: {  	s13 =	sor.u32 $0xA000, s25;
	s12 =	sor.u32 s22, s8;
	[tilespmem:s9+$0x0] =	vst.add.f32.msk $0xffff, v1  }
0x18c: {  	s15 =	sor.u32 $0x6080, s25;
	s28 =	sor.u32 s23, s13;
	v1 =	vld [tilespmem:s12+$0x0]  }
0x18d: {  	s16 =	sor.u32 s23, s15;
	[tilespmem:s28+$0x0] =	vst.add.f32.msk $0xffff, v2  }
0x18e: {  	s6 =	sor.u32 $0x6300, s3;
	s7 =	sor.u32 $0x280, s7;
	v2 =	vld [tilespmem:s16+$0x0]  }
0x18f: {  	s14 =	sor.u32 s4, s6;
	[tilespmem:s7+$0x0] =	vst.add.f32.msk $0xffff, v0  }
0x190: {  	s8 =	sor.u32 s22, s13;
	s10 =	sand.u32 $0x3, s21;
	v0 =	vld [tilespmem:s14+$0x0]  }
0x191: {  	s9 =	sor.u32 s22, s15;
	s10 =	sshll.u32 s10, $0x5;
	[tilespmem:s8+$0x0] =	vst.add.f32.msk $0xffff, v1  }
0x192: {  	s18 =	sor.u32 $0x6100, s25;
	s11 =	sor.u32 $0x80, s28;
	s7 =	sadd.s32 $0x0, s10;
	v1 =	vld [tilespmem:s9+$0x0]  }
0x193: {  	s10 =	sadd.s32 $0x10, s7;
	[tilespmem:s11+$0x0] =	vst.add.f32.msk $0xffff, v2;
	s11 =	sor.u32 s23, s18  }
0x194: {  	s3 =	sor.u32 $0x6380, s3;
	s17 =	sor.u32 $0x300, s10;
	v2 =	vld [tilespmem:s11+$0x0]  }
0x195: {  	s4 =	sor.u32 s4, s3;
	[tilespmem:s17+$0xA000] =	vst.add.f32.msk $0xffff, v0  }
0x196: {  	s12 =	sor.u32 $0x80, s8;
	v0 =	vld [tilespmem:s4+$0x0]  }
0x197: {  	s13 =	sor.u32 s22, s18;
	[tilespmem:s12+$0x0] =	vst.add.f32.msk $0xffff, v1  }
0x198: {  	s5 =	sor.u32 s0, s5;
	v1 =	vld [tilespmem:s13+$0x0]  }
0x199: {  	v3 =	vld [tilespmem:s5+$0x0];
	s16 =	sor.u32 $0x100, s28  }
0x19a: {  	s15 =	sor.u32 $0x6180, s25;
	s14 =	sor.u32 $0x380, s10;
	[tilespmem:s16+$0x0] =	vst.add.f32.msk $0xffff, v2  }
0x19b: {  	s17 =	sor.u32 s23, s15;
	[tilespmem:s14+$0xA000] =	vst.add.f32.msk $0xffff, v0  }
0x19c: {  	s18 =	sor.u32 $0x100, s8;
	v0 =	vld [tilespmem:s17+$0x0]  }
0x19d: {  	s4 =	sor.u32 s22, s15;
	[tilespmem:s18+$0x0] =	vst.add.f32.msk $0xffff, v1  }
0x19e: {  	s1 =	sor.u32 $0x280, s1;
	v2 =	vld [tilespmem:s4+$0x0]  }
0x19f: {  	[tilespmem:s1+$0x0] =	vst.add.f32.msk $0xffff, v3;
	s10 =	sor.u32 s0, s6  }
0x1a0: {  	v3 =	vld [tilespmem:s10+$0x0];
	s11 =	sor.u32 $0x6200, s25;
	s12 =	sor.u32 $0x180, s28  }
0x1a1: {  	s13 =	sor.u32 s23, s11;
	[tilespmem:s12+$0x0] =	vst.add.f32.msk $0xffff, v0  }
0x1a2: {  	s31 =	sor.u32 $0x280, s8;
	s15 =	sor.u32 $0x180, s8;
	v1 =	vld [tilespmem:s13+$0x0]  }
0x1a3: {  	s1 =	sor.u32 $0x200, s8;
	s16 =	sor.u32 s26, s24;
	s17 =	sor.u32 s22, s11;
	[tilespmem:s15+$0x0] =	vst.add.f32.msk $0xffff, v2  }
0x1a4: {  	s30 =	sor.u32 $0x380, s16;
	s14 =	sor.u32 s21, s29;
	s18 =	sor.u32 $0x300, s7;
	v0 =	vld [tilespmem:s17+$0x0]  }
0x1a5: {  	s29 =	sor.u32 $0x380, s14;
	s4 =	sor.u32 s0, s3;
	s0 =	simm.s32 $0x200;
	[tilespmem:s18+$0xA000] =	vst.add.f32.msk $0xffff, v3  }
.LBB2_8:
0x1a6: {  	s24 =	sadd.s32 $0x20, s24;
	s3 =	sor.u32 $0x6280, s25;
	s7 =	sor.u32 $0x200, s28;
	v2 =	vld [tilespmem:s4+$0x0]  }
0x1a7: {  	s6 =	sand.u32 $0x1C00, s0;
	s5 =	sand.u32 $0x60, s24;
	[tilespmem:s7+$0x0] =	vst.add.f32.msk $0xffff, v1;
	s4 =	sor.u32 s23, s3  }
0x1a8: {  	s8 =	sor.u32 $0x6000, s6;
	s9 =	sor.u32 s22, s3;
	s7 =	sor.u32 $0x10, s5;
	v1 =	vld [tilespmem:s4+$0x0]  }
0x1a9: {  	s3 =	sor.u32 s0, s24;
	s4 =	sor.u32 s5, s8;
	s8 =	sor.u32 s7, s8;
	[tilespmem:s1+$0x0] =	vst.add.f32.msk $0xffff, v0  }
0x1aa: {  	p0 =	slt.u32 s24, $0x3E0;
	s3 =	sor.u32 $0x380, s3;
	v0 =	vld [tilespmem:s8+$0x0]  }
0x1ab: {  	v3 =	vld [tilespmem:s4+$0x0]  }
0x1ac: {  	s1 =	sor.u32 $0x280, s28;
	s4 =	sor.u32 $0x6300, s25;
	v4 =	vld [tilespmem:s9+$0x0]  }
0x1ad: {  	s21 =	sadd.s32 $0x1, s21;
	s8 =	sor.u32 $0xA000, s6;
	[tilespmem:s1+$0x0] =	vst.add.f32.msk $0xffff, v1;
	s1 =	sor.u32 s23, s4  }
0x1ae: {  	s10 =	sand.u32 $0x3, s21;
	s28 =	sor.u32 s7, s8;
	s9 =	sor.u32 $0x6080, s6;
	v1 =	vld [tilespmem:s1+$0x0]  }
0x1af: {  	s11 =	sor.u32 s5, s8;
	s8 =	sshll.u32 s10, $0x5;
	s1 =	sor.u32 s7, s9;
	[tilespmem:s28+$0x0] =	vst.add.f32.msk $0xffff, v0  }
0x1b0: {  	s10 =	sor.u32 $0x80, s11;
	s12 =	sadd.s32 s8, s26;
	s9 =	sor.u32 s5, s9;
	v0 =	vld [tilespmem:s1+$0x0]  }
0x1b1: {  	s13 =	sor.u32 $0x100, s11;
	s8 =	sor.u32 $0x180, s11;
	s14 =	sadd.s32 $0x10, s12;
	[tilespmem:s11+$0x0] =	vst.add.f32.msk $0xffff, v3  }
0x1b2: {  	s15 =	sor.u32 $0x300, s14;
	s1 =	sor.u32 $0x200, s11;
	v3 =	vld [tilespmem:s9+$0x0];
	s9 =	sor.u32 $0x6380, s25  }
0x1b3: {  	s16 =	sor.u32 s22, s4;
	s11 =	sor.u32 $0x280, s11;
	[tilespmem:s15+$0xA000] =	vst.add.f32.msk $0xffff, v1;
	s4 =	sor.u32 s23, s9  }
0x1b4: {  	s17 =	sor.u32 $0x80, s28;
	s12 =	sor.u32 $0x300, s12;
	s15 =	sor.u32 $0x6100, s6;
	v1 =	vld [tilespmem:s4+$0x0]  }
0x1b5: {  	s18 =	sor.u32 s5, s15;
	s15 =	sor.u32 s7, s15;
	s4 =	sor.u32 s22, s9;
	[tilespmem:s17+$0x0] =	vst.add.f32.msk $0xffff, v0  }
0x1b6: {  	s25 =	smov.u32 s6;
	s23 =	smov.u32 s7;
	s22 =	smov.u32 s5;
	v0 =	vld [tilespmem:s15+$0x0]  }
0x1b7: {  	s26 =	smov.u32 s0;
	[tilespmem:s10+$0x0] =	vst.add.f32.msk $0xffff, v3  }
0x1b8: {  	s5 =	sor.u32 $0x380, s14;
	v3 =	vld [tilespmem:s18+$0x0]  }
0x1b9: {  	[tilespmem:s5+$0xA000] =	vst.add.f32.msk $0xffff, v1  }
0x1ba: {  	s6 =	sor.u32 $0x100, s28;
	s5 =	sor.u32 $0x6180, s25;
	[tilespmem:s31+$0x0] =	vst.add.f32.msk $0xffff, v4;
	s31 =	smov.u32 s11  }
0x1bb: {  	s7 =	sor.u32 s22, s5;
	s5 =	sor.u32 s23, s5;
	[tilespmem:s6+$0x0] =	vst.add.f32.msk $0xffff, v0  }
0x1bc: {  	v0 =	vld [tilespmem:s5+$0x0]  }
0x1bd: {  	[tilespmem:s13+$0x0] =	vst.add.f32.msk $0xffff, v3  }
0x1be: {  	v3 =	vld [tilespmem:s7+$0x0]  }
0x1bf: {  	v4 =	vld [tilespmem:s16+$0x0]  }
0x1c0: {  	s6 =	sor.u32 $0x180, s28;
	s5 =	sor.u32 $0x6200, s25;
	[tilespmem:s29+$0xA000] =	vst.add.f32.msk $0xffff, v2;
	s29 =	smov.u32 s30  }
.Ltmp3:
0x1c1: {  	s7 =	sor.u32 s22, s5;
	s5 =	sor.u32 s23, s5;
	[tilespmem:s6+$0x0] =	vst.add.f32.msk $0xffff, v0;
	(pc) =	sbr.rel @p0 .LBB2_8-.Ltmp3, $4  }
0x1c2: {  	s30 =	smov.u32 s3;
	v1 =	vld [tilespmem:s5+$0x0]  }
0x1c3: {  	[tilespmem:s8+$0x0] =	vst.add.f32.msk $0xffff, v3  }
0x1c4: {  	v0 =	vld [tilespmem:s7+$0x0]  }
0x1c5: {  	s0 =	sadd.s32 $0x100, s0;
	[tilespmem:s12+$0xA000] =	vst.add.f32.msk $0xffff, v4  }
0x1c6: {  	s0 =	sor.u32 $0x6280, s25;
	s3 =	sor.u32 $0x200, s28  }
0x1c7: {  	[tilespmem:s3+$0x0] =	vst.add.f32.msk $0xffff, v1;
	s14 =	sor.u32 s23, s0  }
0x1c8: {  	v1 =	vld [tilespmem:s14+$0x0]  }
0x1c9: {  	s0 =	sor.u32 s22, s0;
	[tilespmem:s1+$0x0] =	vst.add.f32.msk $0xffff, v0  }
0x1ca: {  	v0 =	vld [tilespmem:s0+$0x0];
	_ =	sdelay $0x1  }
0x1cb: {  	s15 =	sor.u32 $0x6300, s25;
	s16 =	sor.u32 $0x280, s28  }
0x1cc: {  	s18 =	sadd.s32 $0x1, s21;
	s17 =	sor.u32 s23, s15;
	[tilespmem:s16+$0x0] =	vst.add.f32.msk $0xffff, v1  }
0x1cd: {  	s3 =	sand.u32 $0x3, s18;
	v1 =	vld [tilespmem:s17+$0x0]  }
0x1ce: {  	s21 =	sshll.u32 s3, $0x5;
	s0 =	sor.u32 s22, s15;
	[tilespmem:s31+$0x0] =	vst.add.f32.msk $0xffff, v0  }
0x1cf: {  	s1 =	sadd.s32 s21, s26;
	v0 =	vld [tilespmem:s0+$0x0]  }
0x1d0: {  	s24 =	sadd.s32 $0x10, s1  }
0x1d1: {  	v2 =	vld [tilespmem:s4+$0x0];
	s25 =	sor.u32 $0x6380, s25;
	s26 =	sor.u32 $0x300, s24  }
0x1d2: {  	s28 =	sor.u32 s23, s25;
	[tilespmem:s26+$0xA000] =	vst.add.f32.msk $0xffff, v1  }
0x1d3: {  	s1 =	sor.u32 $0x300, s1;
	v1 =	vld [tilespmem:s28+$0x0]  }
0x1d4: {  	s3 =	sor.u32 s22, s25;
	[tilespmem:s1+$0xA000] =	vst.add.f32.msk $0xffff, v0  }
0x1d5: {  	v0 =	vld [tilespmem:s3+$0x0];
	_ =	sdelay $0x2  }
0x1d6: {  	[tilespmem:s29+$0xA000] =	vst.add.f32.msk $0xffff, v2;
	s0 =	sor.u32 $0x380, s24  }
0x1d7: {  	[tilespmem:s0+$0xA000] =	vst.add.f32.msk $0xffff, v1  }
0x1d8: {  	[tilespmem:s30+$0xA000] =	vst.add.f32.msk $0xffff, v0  }
0x1d9: {  	s10 =	simm.s32 $0x4;
	s17 =	simm.s32 $0xA000;
	s0 =	rddreg [dreg:$0xc]  }
0x1da: {  	[hbm4b:s0+s2] =	stream.linear.scatter [tilespmem:s17], [sflag:$0x5], $0x2000, $0x38;
	[tilespmem:$0xC000] =	vst v63  }
0x1db: {  	_ =	swait.ge [sflag:s10], $0x2000  }
0x1dc: {  	[sflag:s10] =	ssyncset.done $0x0  }
0x1dd: {  	[sflag:s10] =	ssyncadd.s32 $0xFFFFE000  }
0x1de: {  	_ =	swait.ge [sflag:s19], $0x2000  }
0x1df: {  	s20 =	sadd.s32 $0x1, s20;
	s31 =	rddreg [dreg:$0xd]  }
0x1e0: {  	p0 =	sne.s32 s20, s31  }
.Ltmp4:
0x1e1: {  	_ = 	snop;
	(pc) =	sbr.rel @p0 .LBB2_1-.Ltmp4, $3  }
0x1e2: {  	_ =	sdelay $0x1  }
0x1e3: {  	[sflag:s19] =	ssyncset.done $0x0  }
0x1e4: {  	s18 =	simm.s32 $0x8000;
	[sflag:s19] =	ssyncadd.s32 $0xFFFFE000  }
0x1e5: {  	_ =	sfence.sel $0x180000  }
0x1e6: {  	[bflag:$0x0] =	sbarrier.arrive $0xFFFF  }
0x1e7: {  	_ =	strace $0x90000047  }
0x1e8: {  	s0 =	stileid.u32;
	[bflag:$0x2] =	sbarrier.arrive $0xFFFF  }
0x1e9: {  	p0 =	sne.s32 s0, $0x0;
	s0 =	rddreg [dreg:$0x3]  }
0x1ea: {  	s0 =	sadd.s32 @!p0 $0x100000, s0  }
0x1eb: {  	[sflag:s0] =	ssyncadd.tile.s32 @!p0 $0x1;
	_ =	shalt  }
.Lfunc_end2:
_tile_overlayer_lowered:
.L_overlay_start_2:
0x1ec: {  	(tag) =	ssettag $0x2  }
0x1ed: {  	s0 =	rddreg [dreg:$0x0];
	s2 =	stileid.u32  }
0x1ee: {  	s1 =	rddreg [dreg:$0x1];
	p0 =	sne.s32 s2, $0x0  }
0x1ef: {  	s3 =	rddreg [dreg:$0x2];
	[bflag:$0x3] =	sbarrier.arrive $0xFFFF;
	s2 =	simm.s32 @!p0 $0x1C06  }
0x1f0: {  	[timem:s3], [sflag:s2] =	dma.local @!p0 [hbm:s0], s1  }
0x1f1: {  	s0 =	simm.s32 @!p0 $0x6  }
0x1f2: {  	_ =	swait.ge @!p0 [sflag:s0], s1  }
0x1f3: {  	s1 =	ssub.s32 @!p0 $0x0, s1;
	[sflag:s0] =	ssyncset.done @!p0 $0x0  }
0x1f4: {  	[sflag:s0] =	ssyncadd.s32 @!p0 s1  }
0x1f5: {  	[bflag:$0x3] =	sbarrier.arrive $0xFFFF  }
0x1f6: {  	_ =	shalt  }

</sc_bundles>
